<compile_context>
chip_gen: v7x
topology: tpu7x:2x2x1
jax: 0.10.2.dev20260603
libtpu: 0.0.44.dev20260713+nightly
codegen_flags: <defaults>
</compile_context>

<pallas_src>
import functools

import jax
import jax.numpy as jnp
from jax import lax
from jax.experimental import pallas as pl
from jax.experimental.pallas import tpu as pltpu
from jax.experimental.pallas import tpu_sc as plsc

NUM_USERS = 1000000
NUM_MOVIES = 100000
BATCH = 16384
EMB = 64
ROW = 128
NUM_CORES = 2
NUM_SUBCORES = 16
NUM_WORKERS = NUM_CORES * NUM_SUBCORES
BPW = BATCH // NUM_WORKERS
NCHUNK = 4
CHUNK = BPW // NCHUNK


def _recommender_sc(up, mp, user_bias, movie_bias, user_idx, movie_idx):
    mesh = plsc.VectorSubcoreMesh(core_axis_name="c", subcore_axis_name="s")

    @functools.partial(
        pl.kernel,
        mesh=mesh,
        compiler_params=pltpu.CompilerParams(
            needs_layout_passes=False, use_tc_tiling_on_sc=True),
        out_type=jax.ShapeDtypeStruct((BATCH,), jnp.float32),
        scratch_types=[
            pltpu.VMEM((NCHUNK, CHUNK), jnp.int32),
            pltpu.VMEM((NCHUNK, CHUNK), jnp.int32),
            pltpu.VMEM((CHUNK, ROW), jnp.float32),
            pltpu.VMEM((CHUNK, ROW), jnp.float32),
            pltpu.VMEM((BPW,), jnp.float32),
            pltpu.VMEM((BPW,), jnp.float32),
            pltpu.VMEM((BPW,), jnp.float32),
            pltpu.VMEM((16, 16), jnp.float32),
            pltpu.SemaphoreType.DMA,
            pltpu.SemaphoreType.DMA,
        ],
    )
    def k(up_hbm, mp_hbm, ubias_hbm, mbias_hbm, uidx_hbm, midx_hbm, out_hbm,
          uidx_v, midx_v, urows, mrows, ub_v, mb_v, out_v, tr_v, sem, bsem):
        cid = lax.axis_index("c")
        sid = lax.axis_index("s")
        wid = sid * NUM_CORES + cid
        base = wid * BPW

        for j in range(NCHUNK):
            pltpu.sync_copy(uidx_hbm.at[pl.ds(base + j * CHUNK, CHUNK)], uidx_v.at[j])
            pltpu.sync_copy(midx_hbm.at[pl.ds(base + j * CHUNK, CHUNK)], midx_v.at[j])

        for j in range(NCHUNK):
            b1 = pltpu.async_copy(ubias_hbm.at[uidx_v.at[j]], ub_v.at[pl.ds(j * CHUNK, CHUNK)], bsem)
            b2 = pltpu.async_copy(mbias_hbm.at[midx_v.at[j]], mb_v.at[pl.ds(j * CHUNK, CHUNK)], bsem)
            b1.wait()
            b2.wait()

        lane = lax.iota(jnp.int32, 16)
        col15 = lane * 0 + 15

        @pl.loop(0, NCHUNK)
        def _(j):
            g1 = pltpu.async_copy(up_hbm.at[uidx_v.at[j]], urows, sem)
            g2 = pltpu.async_copy(mp_hbm.at[midx_v.at[j]], mrows, sem)
            g1.wait()
            g2.wait()

            @pl.loop(0, CHUNK // 16)
            def _(g):
                b0 = g * 16
                for i in range(16):
                    b = b0 + i
                    acc = urows[b, pl.ds(0, 16)] * mrows[b, pl.ds(0, 16)]
                    for c in range(1, 4):
                        acc = acc + (urows[b, pl.ds(c * 16, 16)]
                                     * mrows[b, pl.ds(c * 16, 16)])
                    tr_v[i, :] = jnp.cumsum(acc)
                hsum = plsc.load_gather(tr_v, [lane, col15])
                o0 = j * CHUNK + b0
                res = hsum + ub_v[pl.ds(o0, 16)] + mb_v[pl.ds(o0, 16)] + 3.5
                out_v[pl.ds(o0, 16)] = res

        pltpu.sync_copy(out_v, out_hbm.at[pl.ds(base, BPW)])

    return k(up, mp, user_bias, movie_bias, user_idx, movie_idx)


def kernel(user_idx, movie_idx, user_embedding, movie_embedding, user_bias, movie_bias):
    pad = ((0, 0), (0, ROW - EMB))
    return _recommender_sc(
        jnp.pad(user_embedding, pad),
        jnp.pad(movie_embedding, pad),
        user_bias.reshape(-1),
        movie_bias.reshape(-1),
        user_idx.astype(jnp.int32),
        movie_idx.astype(jnp.int32),
    )

# --- scband reference (transcript-rebuilt; emitter-appended) ---
"""Pipeline reference for scband-recommender-net-16295105921081 (READ-ONLY COPY).

The authoritative reference and input builder live on the scoring server;
editing this copy changes nothing except your own understanding.
"""

import jax, jax.numpy as jnp
import numpy as np

NUM_USERS = 1000000
NUM_MOVIES = 100000
EMB = 64
BATCH = 16384
GLOBAL_MEAN = 3.5

def setup_inputs(seed: int = 0) -> dict:
    key = jax.random.key(seed)
    k1, k2, k3, k4, k5, k6 = jax.random.split(key, 6)
    user_idx = jax.random.randint(k1, (BATCH,), 0, NUM_USERS, dtype=jnp.int64 if jax.config.jax_enable_x64 else jnp.int32)
    movie_idx = jax.random.randint(k2, (BATCH,), 0, NUM_MOVIES, dtype=jnp.int64 if jax.config.jax_enable_x64 else jnp.int32)
    user_embedding = jax.random.normal(k3, (NUM_USERS, EMB), dtype=jnp.float32)
    movie_embedding = jax.random.normal(k4, (NUM_MOVIES, EMB), dtype=jnp.float32)
    user_bias = jax.random.normal(k5, (NUM_USERS, 1), dtype=jnp.float32)
    movie_bias = jax.random.normal(k6, (NUM_MOVIES, 1), dtype=jnp.float32)
    return {
        'user_idx': user_idx,
        'movie_idx': movie_idx,
        'user_embedding': user_embedding,
        'movie_embedding': movie_embedding,
        'user_bias': user_bias,
        'movie_bias': movie_bias,
    }

def reference(user_idx, movie_idx, user_embedding, movie_embedding, user_bias, movie_bias):
    user_vec = jnp.take(user_embedding, user_idx, axis=0)
    movie_vec = jnp.take(movie_embedding, movie_idx, axis=0)
    u_bias = jnp.take(user_bias, user_idx, axis=0).squeeze(-1)
    m_bias = jnp.take(movie_bias, movie_idx, axis=0).squeeze(-1)
    dot = (user_vec * movie_vec).sum(axis=1)
    return GLOBAL_MEAN + u_bias + m_bias + dot

if __name__ == "__main__":
    import jax
    _d = setup_inputs()
    print(jax.jit(kernel)(*tuple(_d.values())))

</pallas_src>

<mosaic_0001>
#map = affine_map<(d0, d1) -> (0, 0)>
#map1 = affine_map<(d0, d1) -> (0)>
module attributes {stable_mosaic.version = 14 : i64} {
  func.func @k(%arg0: i32, %arg1: i32, %arg2: memref<1000000x128xf32, #tpu.memory_space<hbm>>, %arg3: memref<100000x128xf32, #tpu.memory_space<hbm>>, %arg4: memref<1000000xf32, #tpu.memory_space<hbm>>, %arg5: memref<100000xf32, #tpu.memory_space<hbm>>, %arg6: memref<16384xi32, #tpu.memory_space<hbm>>, %arg7: memref<16384xi32, #tpu.memory_space<hbm>>, %arg8: memref<16384xf32, #tpu.memory_space<hbm>>, %arg9: memref<4x128xi32, #tpu.memory_space<vmem>>, %arg10: memref<4x128xi32, #tpu.memory_space<vmem>>, %arg11: memref<128x128xf32, #tpu.memory_space<vmem>>, %arg12: memref<128x128xf32, #tpu.memory_space<vmem>>, %arg13: memref<512xf32, #tpu.memory_space<vmem>>, %arg14: memref<512xf32, #tpu.memory_space<vmem>>, %arg15: memref<512xf32, #tpu.memory_space<vmem>>, %arg16: memref<16x16xf32, #tpu.memory_space<vmem>>, %arg17: memref<!tpu.dma_semaphore, #tpu.memory_space<semaphore_mem>>, %arg18: memref<!tpu.dma_semaphore, #tpu.memory_space<semaphore_mem>>) attributes {dimension_semantics = [#tpu.dimension_semantics<core_parallel>, #tpu.dimension_semantics<subcore_parallel>], iteration_bounds = array<i64: 2, 16>, scalar_prefetch = 0 : i64, scratch_operands = 10 : i64, tpu.core_type = #tpu.core_type<sc_vector_subcore>, window_params = [{transform_indices = #map}, {transform_indices = #map}, {transform_indices = #map1}, {transform_indices = #map1}, {transform_indices = #map1}, {transform_indices = #map1}, {transform_indices = #map1}]} {
    %mul3A = arith.constant 2 : i32
    %mul3A_0 = arith.muli %arg1, %mul3A : i32
    %add3A = arith.addi %mul3A_0, %arg0 : i32
    %mul3A_1 = arith.constant 512 : i32
    %mul3A_2 = arith.muli %add3A, %mul3A_1 : i32
    %add3A_3 = arith.constant 0 : i32
    %add3A_4 = arith.addi %mul3A_2, %add3A_3 : i32
    %run_scoped3A = arith.constant 0 : i32
    "tpu.region"() ({
      %run_scoped3A_162 = tpu.sem_alloc : memref<!tpu.dma_semaphore, #tpu.memory_space<semaphore_mem>>
      %dma_start3A_163 = arith.constant 0 : i32
      %dma_start3A_164 = tpu.memref_slice %arg9[%run_scoped3A, %dma_start3A_163] : memref<4x128xi32, #tpu.memory_space<vmem>> -> memref<1x128xi32, #tpu.memory_space<vmem>>
      %dma_start3A_165 = tpu.memref_squeeze %dma_start3A_164 : memref<1x128xi32, #tpu.memory_space<vmem>> -> memref<128xi32, #tpu.memory_space<vmem>>
      %dma_start3A_166 = tpu.memref_slice %arg6[%add3A_4] : memref<16384xi32, #tpu.memory_space<hbm>> -> memref<128xi32, #tpu.memory_space<hbm>>
      %dma_start3A_167 = arith.constant 0 : i32
      %dma_start3A_168 = tpu.memref_slice %arg9[%run_scoped3A, %dma_start3A_167] : memref<4x128xi32, #tpu.memory_space<vmem>> -> memref<1x128xi32, #tpu.memory_space<vmem>>
      %dma_start3A_169 = tpu.memref_squeeze %dma_start3A_168 : memref<1x128xi32, #tpu.memory_space<vmem>> -> memref<128xi32, #tpu.memory_space<vmem>>
      %dma_start3A_170 = tpu.memref_slice %arg6[%add3A_4] : memref<16384xi32, #tpu.memory_space<hbm>> -> memref<128xi32, #tpu.memory_space<hbm>>
      tpu.enqueue_dma source(%dma_start3A_170 : memref<128xi32, #tpu.memory_space<hbm>>) target(%dma_start3A_169 : memref<128xi32, #tpu.memory_space<vmem>>) target_semaphore(%run_scoped3A_162 : memref<!tpu.dma_semaphore, #tpu.memory_space<semaphore_mem>>)
      %dma_wait3A_171 = arith.constant 0 : i32
      %dma_wait3A_172 = tpu.memref_slice %arg9[%run_scoped3A, %dma_wait3A_171] : memref<4x128xi32, #tpu.memory_space<vmem>> -> memref<1x128xi32, #tpu.memory_space<vmem>>
      %dma_wait3A_173 = tpu.memref_squeeze %dma_wait3A_172 : memref<1x128xi32, #tpu.memory_space<vmem>> -> memref<128xi32, #tpu.memory_space<vmem>>
      %dma_wait3A_174 = tpu.memref_slice %arg6[%add3A_4] : memref<16384xi32, #tpu.memory_space<hbm>> -> memref<128xi32, #tpu.memory_space<hbm>>
      %dma_wait3A_175 = arith.constant 0 : i32
      %dma_wait3A_176 = tpu.memref_slice %arg9[%run_scoped3A, %dma_wait3A_175] : memref<4x128xi32, #tpu.memory_space<vmem>> -> memref<1x128xi32, #tpu.memory_space<vmem>>
      %dma_wait3A_177 = tpu.memref_squeeze %dma_wait3A_176 : memref<1x128xi32, #tpu.memory_space<vmem>> -> memref<128xi32, #tpu.memory_space<vmem>>
      %dma_wait3A_178 = tpu.memref_slice %arg6[%add3A_4] : memref<16384xi32, #tpu.memory_space<hbm>> -> memref<128xi32, #tpu.memory_space<hbm>>
      tpu.wait_dma2 semaphore(%run_scoped3A_162 : memref<!tpu.dma_semaphore, #tpu.memory_space<semaphore_mem>>) src(%dma_wait3A_178 : memref<128xi32, #tpu.memory_space<hbm>>) dst(%dma_wait3A_177 : memref<128xi32, #tpu.memory_space<vmem>>)
      tpu.yield
    }) : () -> ()
    %add3A_5 = arith.constant 0 : i32
    %add3A_6 = arith.addi %mul3A_2, %add3A_5 : i32
    %run_scoped3A_7 = arith.constant 0 : i32
    "tpu.region"() ({
      %run_scoped3A_162 = tpu.sem_alloc : memref<!tpu.dma_semaphore, #tpu.memory_space<semaphore_mem>>
      %dma_start3A_163 = arith.constant 0 : i32
      %dma_start3A_164 = tpu.memref_slice %arg10[%run_scoped3A_7, %dma_start3A_163] : memref<4x128xi32, #tpu.memory_space<vmem>> -> memref<1x128xi32, #tpu.memory_space<vmem>>
      %dma_start3A_165 = tpu.memref_squeeze %dma_start3A_164 : memref<1x128xi32, #tpu.memory_space<vmem>> -> memref<128xi32, #tpu.memory_space<vmem>>
      %dma_start3A_166 = tpu.memref_slice %arg7[%add3A_6] : memref<16384xi32, #tpu.memory_space<hbm>> -> memref<128xi32, #tpu.memory_space<hbm>>
      %dma_start3A_167 = arith.constant 0 : i32
      %dma_start3A_168 = tpu.memref_slice %arg10[%run_scoped3A_7, %dma_start3A_167] : memref<4x128xi32, #tpu.memory_space<vmem>> -> memref<1x128xi32, #tpu.memory_space<vmem>>
      %dma_start3A_169 = tpu.memref_squeeze %dma_start3A_168 : memref<1x128xi32, #tpu.memory_space<vmem>> -> memref<128xi32, #tpu.memory_space<vmem>>
      %dma_start3A_170 = tpu.memref_slice %arg7[%add3A_6] : memref<16384xi32, #tpu.memory_space<hbm>> -> memref<128xi32, #tpu.memory_space<hbm>>
      tpu.enqueue_dma source(%dma_start3A_170 : memref<128xi32, #tpu.memory_space<hbm>>) target(%dma_start3A_169 : memref<128xi32, #tpu.memory_space<vmem>>) target_semaphore(%run_scoped3A_162 : memref<!tpu.dma_semaphore, #tpu.memory_space<semaphore_mem>>)
      %dma_wait3A_171 = arith.constant 0 : i32
      %dma_wait3A_172 = tpu.memref_slice %arg10[%run_scoped3A_7, %dma_wait3A_171] : memref<4x128xi32, #tpu.memory_space<vmem>> -> memref<1x128xi32, #tpu.memory_space<vmem>>
      %dma_wait3A_173 = tpu.memref_squeeze %dma_wait3A_172 : memref<1x128xi32, #tpu.memory_space<vmem>> -> memref<128xi32, #tpu.memory_space<vmem>>
      %dma_wait3A_174 = tpu.memref_slice %arg7[%add3A_6] : memref<16384xi32, #tpu.memory_space<hbm>> -> memref<128xi32, #tpu.memory_space<hbm>>
      %dma_wait3A_175 = arith.constant 0 : i32
      %dma_wait3A_176 = tpu.memref_slice %arg10[%run_scoped3A_7, %dma_wait3A_175] : memref<4x128xi32, #tpu.memory_space<vmem>> -> memref<1x128xi32, #tpu.memory_space<vmem>>
      %dma_wait3A_177 = tpu.memref_squeeze %dma_wait3A_176 : memref<1x128xi32, #tpu.memory_space<vmem>> -> memref<128xi32, #tpu.memory_space<vmem>>
      %dma_wait3A_178 = tpu.memref_slice %arg7[%add3A_6] : memref<16384xi32, #tpu.memory_space<hbm>> -> memref<128xi32, #tpu.memory_space<hbm>>
      tpu.wait_dma2 semaphore(%run_scoped3A_162 : memref<!tpu.dma_semaphore, #tpu.memory_space<semaphore_mem>>) src(%dma_wait3A_178 : memref<128xi32, #tpu.memory_space<hbm>>) dst(%dma_wait3A_177 : memref<128xi32, #tpu.memory_space<vmem>>)
      tpu.yield
    }) : () -> ()
    %add3A_8 = arith.constant 128 : i32
    %add3A_9 = arith.addi %mul3A_2, %add3A_8 : i32
    %run_scoped3A_10 = arith.constant 1 : i32
    "tpu.region"() ({
      %run_scoped3A_162 = tpu.sem_alloc : memref<!tpu.dma_semaphore, #tpu.memory_space<semaphore_mem>>
      %dma_start3A_163 = arith.constant 0 : i32
      %dma_start3A_164 = tpu.memref_slice %arg9[%run_scoped3A_10, %dma_start3A_163] : memref<4x128xi32, #tpu.memory_space<vmem>> -> memref<1x128xi32, #tpu.memory_space<vmem>>
      %dma_start3A_165 = tpu.memref_squeeze %dma_start3A_164 : memref<1x128xi32, #tpu.memory_space<vmem>> -> memref<128xi32, #tpu.memory_space<vmem>>
      %dma_start3A_166 = tpu.memref_slice %arg6[%add3A_9] : memref<16384xi32, #tpu.memory_space<hbm>> -> memref<128xi32, #tpu.memory_space<hbm>>
      %dma_start3A_167 = arith.constant 0 : i32
      %dma_start3A_168 = tpu.memref_slice %arg9[%run_scoped3A_10, %dma_start3A_167] : memref<4x128xi32, #tpu.memory_space<vmem>> -> memref<1x128xi32, #tpu.memory_space<vmem>>
      %dma_start3A_169 = tpu.memref_squeeze %dma_start3A_168 : memref<1x128xi32, #tpu.memory_space<vmem>> -> memref<128xi32, #tpu.memory_space<vmem>>
      %dma_start3A_170 = tpu.memref_slice %arg6[%add3A_9] : memref<16384xi32, #tpu.memory_space<hbm>> -> memref<128xi32, #tpu.memory_space<hbm>>
      tpu.enqueue_dma source(%dma_start3A_170 : memref<128xi32, #tpu.memory_space<hbm>>) target(%dma_start3A_169 : memref<128xi32, #tpu.memory_space<vmem>>) target_semaphore(%run_scoped3A_162 : memref<!tpu.dma_semaphore, #tpu.memory_space<semaphore_mem>>)
      %dma_wait3A_171 = arith.constant 0 : i32
      %dma_wait3A_172 = tpu.memref_slice %arg9[%run_scoped3A_10, %dma_wait3A_171] : memref<4x128xi32, #tpu.memory_space<vmem>> -> memref<1x128xi32, #tpu.memory_space<vmem>>
      %dma_wait3A_173 = tpu.memref_squeeze %dma_wait3A_172 : memref<1x128xi32, #tpu.memory_space<vmem>> -> memref<128xi32, #tpu.memory_space<vmem>>
      %dma_wait3A_174 = tpu.memref_slice %arg6[%add3A_9] : memref<16384xi32, #tpu.memory_space<hbm>> -> memref<128xi32, #tpu.memory_space<hbm>>
      %dma_wait3A_175 = arith.constant 0 : i32
      %dma_wait3A_176 = tpu.memref_slice %arg9[%run_scoped3A_10, %dma_wait3A_175] : memref<4x128xi32, #tpu.memory_space<vmem>> -> memref<1x128xi32, #tpu.memory_space<vmem>>
      %dma_wait3A_177 = tpu.memref_squeeze %dma_wait3A_176 : memref<1x128xi32, #tpu.memory_space<vmem>> -> memref<128xi32, #tpu.memory_space<vmem>>
      %dma_wait3A_178 = tpu.memref_slice %arg6[%add3A_9] : memref<16384xi32, #tpu.memory_space<hbm>> -> memref<128xi32, #tpu.memory_space<hbm>>
      tpu.wait_dma2 semaphore(%run_scoped3A_162 : memref<!tpu.dma_semaphore, #tpu.memory_space<semaphore_mem>>) src(%dma_wait3A_178 : memref<128xi32, #tpu.memory_space<hbm>>) dst(%dma_wait3A_177 : memref<128xi32, #tpu.memory_space<vmem>>)
      tpu.yield
    }) : () -> ()
    %add3A_11 = arith.constant 128 : i32
    %add3A_12 = arith.addi %mul3A_2, %add3A_11 : i32
    %run_scoped3A_13 = arith.constant 1 : i32
    "tpu.region"() ({
      %run_scoped3A_162 = tpu.sem_alloc : memref<!tpu.dma_semaphore, #tpu.memory_space<semaphore_mem>>
      %dma_start3A_163 = arith.constant 0 : i32
      %dma_start3A_164 = tpu.memref_slice %arg10[%run_scoped3A_13, %dma_start3A_163] : memref<4x128xi32, #tpu.memory_space<vmem>> -> memref<1x128xi32, #tpu.memory_space<vmem>>
      %dma_start3A_165 = tpu.memref_squeeze %dma_start3A_164 : memref<1x128xi32, #tpu.memory_space<vmem>> -> memref<128xi32, #tpu.memory_space<vmem>>
      %dma_start3A_166 = tpu.memref_slice %arg7[%add3A_12] : memref<16384xi32, #tpu.memory_space<hbm>> -> memref<128xi32, #tpu.memory_space<hbm>>
      %dma_start3A_167 = arith.constant 0 : i32
      %dma_start3A_168 = tpu.memref_slice %arg10[%run_scoped3A_13, %dma_start3A_167] : memref<4x128xi32, #tpu.memory_space<vmem>> -> memref<1x128xi32, #tpu.memory_space<vmem>>
      %dma_start3A_169 = tpu.memref_squeeze %dma_start3A_168 : memref<1x128xi32, #tpu.memory_space<vmem>> -> memref<128xi32, #tpu.memory_space<vmem>>
      %dma_start3A_170 = tpu.memref_slice %arg7[%add3A_12] : memref<16384xi32, #tpu.memory_space<hbm>> -> memref<128xi32, #tpu.memory_space<hbm>>
      tpu.enqueue_dma source(%dma_start3A_170 : memref<128xi32, #tpu.memory_space<hbm>>) target(%dma_start3A_169 : memref<128xi32, #tpu.memory_space<vmem>>) target_semaphore(%run_scoped3A_162 : memref<!tpu.dma_semaphore, #tpu.memory_space<semaphore_mem>>)
      %dma_wait3A_171 = arith.constant 0 : i32
      %dma_wait3A_172 = tpu.memref_slice %arg10[%run_scoped3A_13, %dma_wait3A_171] : memref<4x128xi32, #tpu.memory_space<vmem>> -> memref<1x128xi32, #tpu.memory_space<vmem>>
      %dma_wait3A_173 = tpu.memref_squeeze %dma_wait3A_172 : memref<1x128xi32, #tpu.memory_space<vmem>> -> memref<128xi32, #tpu.memory_space<vmem>>
      %dma_wait3A_174 = tpu.memref_slice %arg7[%add3A_12] : memref<16384xi32, #tpu.memory_space<hbm>> -> memref<128xi32, #tpu.memory_space<hbm>>
      %dma_wait3A_175 = arith.constant 0 : i32
      %dma_wait3A_176 = tpu.memref_slice %arg10[%run_scoped3A_13, %dma_wait3A_175] : memref<4x128xi32, #tpu.memory_space<vmem>> -> memref<1x128xi32, #tpu.memory_space<vmem>>
      %dma_wait3A_177 = tpu.memref_squeeze %dma_wait3A_176 : memref<1x128xi32, #tpu.memory_space<vmem>> -> memref<128xi32, #tpu.memory_space<vmem>>
      %dma_wait3A_178 = tpu.memref_slice %arg7[%add3A_12] : memref<16384xi32, #tpu.memory_space<hbm>> -> memref<128xi32, #tpu.memory_space<hbm>>
      tpu.wait_dma2 semaphore(%run_scoped3A_162 : memref<!tpu.dma_semaphore, #tpu.memory_space<semaphore_mem>>) src(%dma_wait3A_178 : memref<128xi32, #tpu.memory_space<hbm>>) dst(%dma_wait3A_177 : memref<128xi32, #tpu.memory_space<vmem>>)
      tpu.yield
    }) : () -> ()
    %add3A_14 = arith.constant 256 : i32
    %add3A_15 = arith.addi %mul3A_2, %add3A_14 : i32
    %run_scoped3A_16 = arith.constant 2 : i32
    "tpu.region"() ({
      %run_scoped3A_162 = tpu.sem_alloc : memref<!tpu.dma_semaphore, #tpu.memory_space<semaphore_mem>>
      %dma_start3A_163 = arith.constant 0 : i32
      %dma_start3A_164 = tpu.memref_slice %arg9[%run_scoped3A_16, %dma_start3A_163] : memref<4x128xi32, #tpu.memory_space<vmem>> -> memref<1x128xi32, #tpu.memory_space<vmem>>
      %dma_start3A_165 = tpu.memref_squeeze %dma_start3A_164 : memref<1x128xi32, #tpu.memory_space<vmem>> -> memref<128xi32, #tpu.memory_space<vmem>>
      %dma_start3A_166 = tpu.memref_slice %arg6[%add3A_15] : memref<16384xi32, #tpu.memory_space<hbm>> -> memref<128xi32, #tpu.memory_space<hbm>>
      %dma_start3A_167 = arith.constant 0 : i32
      %dma_start3A_168 = tpu.memref_slice %arg9[%run_scoped3A_16, %dma_start3A_167] : memref<4x128xi32, #tpu.memory_space<vmem>> -> memref<1x128xi32, #tpu.memory_space<vmem>>
      %dma_start3A_169 = tpu.memref_squeeze %dma_start3A_168 : memref<1x128xi32, #tpu.memory_space<vmem>> -> memref<128xi32, #tpu.memory_space<vmem>>
      %dma_start3A_170 = tpu.memref_slice %arg6[%add3A_15] : memref<16384xi32, #tpu.memory_space<hbm>> -> memref<128xi32, #tpu.memory_space<hbm>>
      tpu.enqueue_dma source(%dma_start3A_170 : memref<128xi32, #tpu.memory_space<hbm>>) target(%dma_start3A_169 : memref<128xi32, #tpu.memory_space<vmem>>) target_semaphore(%run_scoped3A_162 : memref<!tpu.dma_semaphore, #tpu.memory_space<semaphore_mem>>)
      %dma_wait3A_171 = arith.constant 0 : i32
      %dma_wait3A_172 = tpu.memref_slice %arg9[%run_scoped3A_16, %dma_wait3A_171] : memref<4x128xi32, #tpu.memory_space<vmem>> -> memref<1x128xi32, #tpu.memory_space<vmem>>
      %dma_wait3A_173 = tpu.memref_squeeze %dma_wait3A_172 : memref<1x128xi32, #tpu.memory_space<vmem>> -> memref<128xi32, #tpu.memory_space<vmem>>
      %dma_wait3A_174 = tpu.memref_slice %arg6[%add3A_15] : memref<16384xi32, #tpu.memory_space<hbm>> -> memref<128xi32, #tpu.memory_space<hbm>>
      %dma_wait3A_175 = arith.constant 0 : i32
      %dma_wait3A_176 = tpu.memref_slice %arg9[%run_scoped3A_16, %dma_wait3A_175] : memref<4x128xi32, #tpu.memory_space<vmem>> -> memref<1x128xi32, #tpu.memory_space<vmem>>
      %dma_wait3A_177 = tpu.memref_squeeze %dma_wait3A_176 : memref<1x128xi32, #tpu.memory_space<vmem>> -> memref<128xi32, #tpu.memory_space<vmem>>
      %dma_wait3A_178 = tpu.memref_slice %arg6[%add3A_15] : memref<16384xi32, #tpu.memory_space<hbm>> -> memref<128xi32, #tpu.memory_space<hbm>>
      tpu.wait_dma2 semaphore(%run_scoped3A_162 : memref<!tpu.dma_semaphore, #tpu.memory_space<semaphore_mem>>) src(%dma_wait3A_178 : memref<128xi32, #tpu.memory_space<hbm>>) dst(%dma_wait3A_177 : memref<128xi32, #tpu.memory_space<vmem>>)
      tpu.yield
    }) : () -> ()
    %add3A_17 = arith.constant 256 : i32
    %add3A_18 = arith.addi %mul3A_2, %add3A_17 : i32
    %run_scoped3A_19 = arith.constant 2 : i32
    "tpu.region"() ({
      %run_scoped3A_162 = tpu.sem_alloc : memref<!tpu.dma_semaphore, #tpu.memory_space<semaphore_mem>>
      %dma_start3A_163 = arith.constant 0 : i32
      %dma_start3A_164 = tpu.memref_slice %arg10[%run_scoped3A_19, %dma_start3A_163] : memref<4x128xi32, #tpu.memory_space<vmem>> -> memref<1x128xi32, #tpu.memory_space<vmem>>
      %dma_start3A_165 = tpu.memref_squeeze %dma_start3A_164 : memref<1x128xi32, #tpu.memory_space<vmem>> -> memref<128xi32, #tpu.memory_space<vmem>>
      %dma_start3A_166 = tpu.memref_slice %arg7[%add3A_18] : memref<16384xi32, #tpu.memory_space<hbm>> -> memref<128xi32, #tpu.memory_space<hbm>>
      %dma_start3A_167 = arith.constant 0 : i32
      %dma_start3A_168 = tpu.memref_slice %arg10[%run_scoped3A_19, %dma_start3A_167] : memref<4x128xi32, #tpu.memory_space<vmem>> -> memref<1x128xi32, #tpu.memory_space<vmem>>
      %dma_start3A_169 = tpu.memref_squeeze %dma_start3A_168 : memref<1x128xi32, #tpu.memory_space<vmem>> -> memref<128xi32, #tpu.memory_space<vmem>>
      %dma_start3A_170 = tpu.memref_slice %arg7[%add3A_18] : memref<16384xi32, #tpu.memory_space<hbm>> -> memref<128xi32, #tpu.memory_space<hbm>>
      tpu.enqueue_dma source(%dma_start3A_170 : memref<128xi32, #tpu.memory_space<hbm>>) target(%dma_start3A_169 : memref<128xi32, #tpu.memory_space<vmem>>) target_semaphore(%run_scoped3A_162 : memref<!tpu.dma_semaphore, #tpu.memory_space<semaphore_mem>>)
      %dma_wait3A_171 = arith.constant 0 : i32
      %dma_wait3A_172 = tpu.memref_slice %arg10[%run_scoped3A_19, %dma_wait3A_171] : memref<4x128xi32, #tpu.memory_space<vmem>> -> memref<1x128xi32, #tpu.memory_space<vmem>>
      %dma_wait3A_173 = tpu.memref_squeeze %dma_wait3A_172 : memref<1x128xi32, #tpu.memory_space<vmem>> -> memref<128xi32, #tpu.memory_space<vmem>>
      %dma_wait3A_174 = tpu.memref_slice %arg7[%add3A_18] : memref<16384xi32, #tpu.memory_space<hbm>> -> memref<128xi32, #tpu.memory_space<hbm>>
      %dma_wait3A_175 = arith.constant 0 : i32
      %dma_wait3A_176 = tpu.memref_slice %arg10[%run_scoped3A_19, %dma_wait3A_175] : memref<4x128xi32, #tpu.memory_space<vmem>> -> memref<1x128xi32, #tpu.memory_space<vmem>>
      %dma_wait3A_177 = tpu.memref_squeeze %dma_wait3A_176 : memref<1x128xi32, #tpu.memory_space<vmem>> -> memref<128xi32, #tpu.memory_space<vmem>>
      %dma_wait3A_178 = tpu.memref_slice %arg7[%add3A_18] : memref<16384xi32, #tpu.memory_space<hbm>> -> memref<128xi32, #tpu.memory_space<hbm>>
      tpu.wait_dma2 semaphore(%run_scoped3A_162 : memref<!tpu.dma_semaphore, #tpu.memory_space<semaphore_mem>>) src(%dma_wait3A_178 : memref<128xi32, #tpu.memory_space<hbm>>) dst(%dma_wait3A_177 : memref<128xi32, #tpu.memory_space<vmem>>)
      tpu.yield
    }) : () -> ()
    %add3A_20 = arith.constant 384 : i32
    %add3A_21 = arith.addi %mul3A_2, %add3A_20 : i32
    %run_scoped3A_22 = arith.constant 3 : i32
    "tpu.region"() ({
      %run_scoped3A_162 = tpu.sem_alloc : memref<!tpu.dma_semaphore, #tpu.memory_space<semaphore_mem>>
      %dma_start3A_163 = arith.constant 0 : i32
      %dma_start3A_164 = tpu.memref_slice %arg9[%run_scoped3A_22, %dma_start3A_163] : memref<4x128xi32, #tpu.memory_space<vmem>> -> memref<1x128xi32, #tpu.memory_space<vmem>>
      %dma_start3A_165 = tpu.memref_squeeze %dma_start3A_164 : memref<1x128xi32, #tpu.memory_space<vmem>> -> memref<128xi32, #tpu.memory_space<vmem>>
      %dma_start3A_166 = tpu.memref_slice %arg6[%add3A_21] : memref<16384xi32, #tpu.memory_space<hbm>> -> memref<128xi32, #tpu.memory_space<hbm>>
      %dma_start3A_167 = arith.constant 0 : i32
      %dma_start3A_168 = tpu.memref_slice %arg9[%run_scoped3A_22, %dma_start3A_167] : memref<4x128xi32, #tpu.memory_space<vmem>> -> memref<1x128xi32, #tpu.memory_space<vmem>>
      %dma_start3A_169 = tpu.memref_squeeze %dma_start3A_168 : memref<1x128xi32, #tpu.memory_space<vmem>> -> memref<128xi32, #tpu.memory_space<vmem>>
      %dma_start3A_170 = tpu.memref_slice %arg6[%add3A_21] : memref<16384xi32, #tpu.memory_space<hbm>> -> memref<128xi32, #tpu.memory_space<hbm>>
      tpu.enqueue_dma source(%dma_start3A_170 : memref<128xi32, #tpu.memory_space<hbm>>) target(%dma_start3A_169 : memref<128xi32, #tpu.memory_space<vmem>>) target_semaphore(%run_scoped3A_162 : memref<!tpu.dma_semaphore, #tpu.memory_space<semaphore_mem>>)
      %dma_wait3A_171 = arith.constant 0 : i32
      %dma_wait3A_172 = tpu.memref_slice %arg9[%run_scoped3A_22, %dma_wait3A_171] : memref<4x128xi32, #tpu.memory_space<vmem>> -> memref<1x128xi32, #tpu.memory_space<vmem>>
      %dma_wait3A_173 = tpu.memref_squeeze %dma_wait3A_172 : memref<1x128xi32, #tpu.memory_space<vmem>> -> memref<128xi32, #tpu.memory_space<vmem>>
      %dma_wait3A_174 = tpu.memref_slice %arg6[%add3A_21] : memref<16384xi32, #tpu.memory_space<hbm>> -> memref<128xi32, #tpu.memory_space<hbm>>
      %dma_wait3A_175 = arith.constant 0 : i32
      %dma_wait3A_176 = tpu.memref_slice %arg9[%run_scoped3A_22, %dma_wait3A_175] : memref<4x128xi32, #tpu.memory_space<vmem>> -> memref<1x128xi32, #tpu.memory_space<vmem>>
      %dma_wait3A_177 = tpu.memref_squeeze %dma_wait3A_176 : memref<1x128xi32, #tpu.memory_space<vmem>> -> memref<128xi32, #tpu.memory_space<vmem>>
      %dma_wait3A_178 = tpu.memref_slice %arg6[%add3A_21] : memref<16384xi32, #tpu.memory_space<hbm>> -> memref<128xi32, #tpu.memory_space<hbm>>
      tpu.wait_dma2 semaphore(%run_scoped3A_162 : memref<!tpu.dma_semaphore, #tpu.memory_space<semaphore_mem>>) src(%dma_wait3A_178 : memref<128xi32, #tpu.memory_space<hbm>>) dst(%dma_wait3A_177 : memref<128xi32, #tpu.memory_space<vmem>>)
      tpu.yield
    }) : () -> ()
    %add3A_23 = arith.constant 384 : i32
    %add3A_24 = arith.addi %mul3A_2, %add3A_23 : i32
    %run_scoped3A_25 = arith.constant 3 : i32
    "tpu.region"() ({
      %run_scoped3A_162 = tpu.sem_alloc : memref<!tpu.dma_semaphore, #tpu.memory_space<semaphore_mem>>
      %dma_start3A_163 = arith.constant 0 : i32
      %dma_start3A_164 = tpu.memref_slice %arg10[%run_scoped3A_25, %dma_start3A_163] : memref<4x128xi32, #tpu.memory_space<vmem>> -> memref<1x128xi32, #tpu.memory_space<vmem>>
      %dma_start3A_165 = tpu.memref_squeeze %dma_start3A_164 : memref<1x128xi32, #tpu.memory_space<vmem>> -> memref<128xi32, #tpu.memory_space<vmem>>
      %dma_start3A_166 = tpu.memref_slice %arg7[%add3A_24] : memref<16384xi32, #tpu.memory_space<hbm>> -> memref<128xi32, #tpu.memory_space<hbm>>
      %dma_start3A_167 = arith.constant 0 : i32
      %dma_start3A_168 = tpu.memref_slice %arg10[%run_scoped3A_25, %dma_start3A_167] : memref<4x128xi32, #tpu.memory_space<vmem>> -> memref<1x128xi32, #tpu.memory_space<vmem>>
      %dma_start3A_169 = tpu.memref_squeeze %dma_start3A_168 : memref<1x128xi32, #tpu.memory_space<vmem>> -> memref<128xi32, #tpu.memory_space<vmem>>
      %dma_start3A_170 = tpu.memref_slice %arg7[%add3A_24] : memref<16384xi32, #tpu.memory_space<hbm>> -> memref<128xi32, #tpu.memory_space<hbm>>
      tpu.enqueue_dma source(%dma_start3A_170 : memref<128xi32, #tpu.memory_space<hbm>>) target(%dma_start3A_169 : memref<128xi32, #tpu.memory_space<vmem>>) target_semaphore(%run_scoped3A_162 : memref<!tpu.dma_semaphore, #tpu.memory_space<semaphore_mem>>)
      %dma_wait3A_171 = arith.constant 0 : i32
      %dma_wait3A_172 = tpu.memref_slice %arg10[%run_scoped3A_25, %dma_wait3A_171] : memref<4x128xi32, #tpu.memory_space<vmem>> -> memref<1x128xi32, #tpu.memory_space<vmem>>
      %dma_wait3A_173 = tpu.memref_squeeze %dma_wait3A_172 : memref<1x128xi32, #tpu.memory_space<vmem>> -> memref<128xi32, #tpu.memory_space<vmem>>
      %dma_wait3A_174 = tpu.memref_slice %arg7[%add3A_24] : memref<16384xi32, #tpu.memory_space<hbm>> -> memref<128xi32, #tpu.memory_space<hbm>>
      %dma_wait3A_175 = arith.constant 0 : i32
      %dma_wait3A_176 = tpu.memref_slice %arg10[%run_scoped3A_25, %dma_wait3A_175] : memref<4x128xi32, #tpu.memory_space<vmem>> -> memref<1x128xi32, #tpu.memory_space<vmem>>
      %dma_wait3A_177 = tpu.memref_squeeze %dma_wait3A_176 : memref<1x128xi32, #tpu.memory_space<vmem>> -> memref<128xi32, #tpu.memory_space<vmem>>
      %dma_wait3A_178 = tpu.memref_slice %arg7[%add3A_24] : memref<16384xi32, #tpu.memory_space<hbm>> -> memref<128xi32, #tpu.memory_space<hbm>>
      tpu.wait_dma2 semaphore(%run_scoped3A_162 : memref<!tpu.dma_semaphore, #tpu.memory_space<semaphore_mem>>) src(%dma_wait3A_178 : memref<128xi32, #tpu.memory_space<hbm>>) dst(%dma_wait3A_177 : memref<128xi32, #tpu.memory_space<vmem>>)
      tpu.yield
    }) : () -> ()
    %dma_start3A = arith.constant 0 : i32
    %dma_start3A_26 = arith.constant 0 : i32
    %dma_start3A_27 = tpu.memref_slice %arg13[%dma_start3A_26] : memref<512xf32, #tpu.memory_space<vmem>> -> memref<128xf32, #tpu.memory_space<vmem>>
    %dma_start3A_28 = arith.constant 0 : i32
    %dma_start3A_29 = tpu.memref_slice %arg9[%dma_start3A, %dma_start3A_28] : memref<4x128xi32, #tpu.memory_space<vmem>> -> memref<1x128xi32, #tpu.memory_space<vmem>>
    %dma_start3A_30 = tpu.memref_squeeze %dma_start3A_29 : memref<1x128xi32, #tpu.memory_space<vmem>> -> memref<128xi32, #tpu.memory_space<vmem>>
    %dma_start3A_31 = arith.constant 0 : i32
    %dma_start3A_32 = tpu.memref_slice %arg4[%dma_start3A_31] : memref<1000000xf32, #tpu.memory_space<hbm>> -> memref<1000000xf32, #tpu.memory_space<hbm>>
    tpu.enqueue_indirect_dma source(%dma_start3A_32 : memref<1000000xf32, #tpu.memory_space<hbm>>) target(%dma_start3A_27 : memref<128xf32, #tpu.memory_space<vmem>>) offsets(%dma_start3A_30 : memref<128xi32, #tpu.memory_space<vmem>>) semaphore(%arg18 : memref<!tpu.dma_semaphore, #tpu.memory_space<semaphore_mem>>)
    %dma_start3A_33 = arith.constant 0 : i32
    %dma_start3A_34 = arith.constant 0 : i32
    %dma_start3A_35 = tpu.memref_slice %arg14[%dma_start3A_34] : memref<512xf32, #tpu.memory_space<vmem>> -> memref<128xf32, #tpu.memory_space<vmem>>
    %dma_start3A_36 = arith.constant 0 : i32
    %dma_start3A_37 = tpu.memref_slice %arg10[%dma_start3A_33, %dma_start3A_36] : memref<4x128xi32, #tpu.memory_space<vmem>> -> memref<1x128xi32, #tpu.memory_space<vmem>>
    %dma_start3A_38 = tpu.memref_squeeze %dma_start3A_37 : memref<1x128xi32, #tpu.memory_space<vmem>> -> memref<128xi32, #tpu.memory_space<vmem>>
    %dma_start3A_39 = arith.constant 0 : i32
    %dma_start3A_40 = tpu.memref_slice %arg5[%dma_start3A_39] : memref<100000xf32, #tpu.memory_space<hbm>> -> memref<100000xf32, #tpu.memory_space<hbm>>
    tpu.enqueue_indirect_dma source(%dma_start3A_40 : memref<100000xf32, #tpu.memory_space<hbm>>) target(%dma_start3A_35 : memref<128xf32, #tpu.memory_space<vmem>>) offsets(%dma_start3A_38 : memref<128xi32, #tpu.memory_space<vmem>>) semaphore(%arg18 : memref<!tpu.dma_semaphore, #tpu.memory_space<semaphore_mem>>)
    %dma_wait3A = arith.constant 0 : i32
    %dma_wait3A_41 = arith.constant 0 : i32
    %dma_wait3A_42 = tpu.memref_slice %arg13[%dma_wait3A_41] : memref<512xf32, #tpu.memory_space<vmem>> -> memref<128xf32, #tpu.memory_space<vmem>>
    %dma_wait3A_43 = arith.constant 0 : i32
    %dma_wait3A_44 = tpu.memref_slice %arg9[%dma_wait3A, %dma_wait3A_43] : memref<4x128xi32, #tpu.memory_space<vmem>> -> memref<1x128xi32, #tpu.memory_space<vmem>>
    %dma_wait3A_45 = tpu.memref_squeeze %dma_wait3A_44 : memref<1x128xi32, #tpu.memory_space<vmem>> -> memref<128xi32, #tpu.memory_space<vmem>>
    %dma_wait3A_46 = arith.constant 0 : i32
    %dma_wait3A_47 = tpu.memref_slice %arg4[%dma_wait3A_46] : memref<1000000xf32, #tpu.memory_space<hbm>> -> memref<1000000xf32, #tpu.memory_space<hbm>>
    tpu.wait_indirect_dma semaphore(%arg18 : memref<!tpu.dma_semaphore, #tpu.memory_space<semaphore_mem>>) src(%dma_wait3A_47 : memref<1000000xf32, #tpu.memory_space<hbm>>) dst(%dma_wait3A_42 : memref<128xf32, #tpu.memory_space<vmem>>)
    %dma_wait3A_48 = arith.constant 0 : i32
    %dma_wait3A_49 = arith.constant 0 : i32
    %dma_wait3A_50 = tpu.memref_slice %arg14[%dma_wait3A_49] : memref<512xf32, #tpu.memory_space<vmem>> -> memref<128xf32, #tpu.memory_space<vmem>>
    %dma_wait3A_51 = arith.constant 0 : i32
    %dma_wait3A_52 = tpu.memref_slice %arg10[%dma_wait3A_48, %dma_wait3A_51] : memref<4x128xi32, #tpu.memory_space<vmem>> -> memref<1x128xi32, #tpu.memory_space<vmem>>
    %dma_wait3A_53 = tpu.memref_squeeze %dma_wait3A_52 : memref<1x128xi32, #tpu.memory_space<vmem>> -> memref<128xi32, #tpu.memory_space<vmem>>
    %dma_wait3A_54 = arith.constant 0 : i32
    %dma_wait3A_55 = tpu.memref_slice %arg5[%dma_wait3A_54] : memref<100000xf32, #tpu.memory_space<hbm>> -> memref<100000xf32, #tpu.memory_space<hbm>>
    tpu.wait_indirect_dma semaphore(%arg18 : memref<!tpu.dma_semaphore, #tpu.memory_space<semaphore_mem>>) src(%dma_wait3A_55 : memref<100000xf32, #tpu.memory_space<hbm>>) dst(%dma_wait3A_50 : memref<128xf32, #tpu.memory_space<vmem>>)
    %dma_start3A_56 = arith.constant 1 : i32
    %dma_start3A_57 = arith.constant 128 : i32
    %dma_start3A_58 = tpu.memref_slice %arg13[%dma_start3A_57] : memref<512xf32, #tpu.memory_space<vmem>> -> memref<128xf32, #tpu.memory_space<vmem>>
    %dma_start3A_59 = arith.constant 0 : i32
    %dma_start3A_60 = tpu.memref_slice %arg9[%dma_start3A_56, %dma_start3A_59] : memref<4x128xi32, #tpu.memory_space<vmem>> -> memref<1x128xi32, #tpu.memory_space<vmem>>
    %dma_start3A_61 = tpu.memref_squeeze %dma_start3A_60 : memref<1x128xi32, #tpu.memory_space<vmem>> -> memref<128xi32, #tpu.memory_space<vmem>>
    %dma_start3A_62 = arith.constant 0 : i32
    %dma_start3A_63 = tpu.memref_slice %arg4[%dma_start3A_62] : memref<1000000xf32, #tpu.memory_space<hbm>> -> memref<1000000xf32, #tpu.memory_space<hbm>>
    tpu.enqueue_indirect_dma source(%dma_start3A_63 : memref<1000000xf32, #tpu.memory_space<hbm>>) target(%dma_start3A_58 : memref<128xf32, #tpu.memory_space<vmem>>) offsets(%dma_start3A_61 : memref<128xi32, #tpu.memory_space<vmem>>) semaphore(%arg18 : memref<!tpu.dma_semaphore, #tpu.memory_space<semaphore_mem>>)
    %dma_start3A_64 = arith.constant 1 : i32
    %dma_start3A_65 = arith.constant 128 : i32
    %dma_start3A_66 = tpu.memref_slice %arg14[%dma_start3A_65] : memref<512xf32, #tpu.memory_space<vmem>> -> memref<128xf32, #tpu.memory_space<vmem>>
    %dma_start3A_67 = arith.constant 0 : i32
    %dma_start3A_68 = tpu.memref_slice %arg10[%dma_start3A_64, %dma_start3A_67] : memref<4x128xi32, #tpu.memory_space<vmem>> -> memref<1x128xi32, #tpu.memory_space<vmem>>
    %dma_start3A_69 = tpu.memref_squeeze %dma_start3A_68 : memref<1x128xi32, #tpu.memory_space<vmem>> -> memref<128xi32, #tpu.memory_space<vmem>>
    %dma_start3A_70 = arith.constant 0 : i32
    %dma_start3A_71 = tpu.memref_slice %arg5[%dma_start3A_70] : memref<100000xf32, #tpu.memory_space<hbm>> -> memref<100000xf32, #tpu.memory_space<hbm>>
    tpu.enqueue_indirect_dma source(%dma_start3A_71 : memref<100000xf32, #tpu.memory_space<hbm>>) target(%dma_start3A_66 : memref<128xf32, #tpu.memory_space<vmem>>) offsets(%dma_start3A_69 : memref<128xi32, #tpu.memory_space<vmem>>) semaphore(%arg18 : memref<!tpu.dma_semaphore, #tpu.memory_space<semaphore_mem>>)
    %dma_wait3A_72 = arith.constant 1 : i32
    %dma_wait3A_73 = arith.constant 128 : i32
    %dma_wait3A_74 = tpu.memref_slice %arg13[%dma_wait3A_73] : memref<512xf32, #tpu.memory_space<vmem>> -> memref<128xf32, #tpu.memory_space<vmem>>
    %dma_wait3A_75 = arith.constant 0 : i32
    %dma_wait3A_76 = tpu.memref_slice %arg9[%dma_wait3A_72, %dma_wait3A_75] : memref<4x128xi32, #tpu.memory_space<vmem>> -> memref<1x128xi32, #tpu.memory_space<vmem>>
    %dma_wait3A_77 = tpu.memref_squeeze %dma_wait3A_76 : memref<1x128xi32, #tpu.memory_space<vmem>> -> memref<128xi32, #tpu.memory_space<vmem>>
    %dma_wait3A_78 = arith.constant 0 : i32
    %dma_wait3A_79 = tpu.memref_slice %arg4[%dma_wait3A_78] : memref<1000000xf32, #tpu.memory_space<hbm>> -> memref<1000000xf32, #tpu.memory_space<hbm>>
    tpu.wait_indirect_dma semaphore(%arg18 : memref<!tpu.dma_semaphore, #tpu.memory_space<semaphore_mem>>) src(%dma_wait3A_79 : memref<1000000xf32, #tpu.memory_space<hbm>>) dst(%dma_wait3A_74 : memref<128xf32, #tpu.memory_space<vmem>>)
    %dma_wait3A_80 = arith.constant 1 : i32
    %dma_wait3A_81 = arith.constant 128 : i32
    %dma_wait3A_82 = tpu.memref_slice %arg14[%dma_wait3A_81] : memref<512xf32, #tpu.memory_space<vmem>> -> memref<128xf32, #tpu.memory_space<vmem>>
    %dma_wait3A_83 = arith.constant 0 : i32
    %dma_wait3A_84 = tpu.memref_slice %arg10[%dma_wait3A_80, %dma_wait3A_83] : memref<4x128xi32, #tpu.memory_space<vmem>> -> memref<1x128xi32, #tpu.memory_space<vmem>>
    %dma_wait3A_85 = tpu.memref_squeeze %dma_wait3A_84 : memref<1x128xi32, #tpu.memory_space<vmem>> -> memref<128xi32, #tpu.memory_space<vmem>>
    %dma_wait3A_86 = arith.constant 0 : i32
    %dma_wait3A_87 = tpu.memref_slice %arg5[%dma_wait3A_86] : memref<100000xf32, #tpu.memory_space<hbm>> -> memref<100000xf32, #tpu.memory_space<hbm>>
    tpu.wait_indirect_dma semaphore(%arg18 : memref<!tpu.dma_semaphore, #tpu.memory_space<semaphore_mem>>) src(%dma_wait3A_87 : memref<100000xf32, #tpu.memory_space<hbm>>) dst(%dma_wait3A_82 : memref<128xf32, #tpu.memory_space<vmem>>)
    %dma_start3A_88 = arith.constant 2 : i32
    %dma_start3A_89 = arith.constant 256 : i32
    %dma_start3A_90 = tpu.memref_slice %arg13[%dma_start3A_89] : memref<512xf32, #tpu.memory_space<vmem>> -> memref<128xf32, #tpu.memory_space<vmem>>
    %dma_start3A_91 = arith.constant 0 : i32
    %dma_start3A_92 = tpu.memref_slice %arg9[%dma_start3A_88, %dma_start3A_91] : memref<4x128xi32, #tpu.memory_space<vmem>> -> memref<1x128xi32, #tpu.memory_space<vmem>>
    %dma_start3A_93 = tpu.memref_squeeze %dma_start3A_92 : memref<1x128xi32, #tpu.memory_space<vmem>> -> memref<128xi32, #tpu.memory_space<vmem>>
    %dma_start3A_94 = arith.constant 0 : i32
    %dma_start3A_95 = tpu.memref_slice %arg4[%dma_start3A_94] : memref<1000000xf32, #tpu.memory_space<hbm>> -> memref<1000000xf32, #tpu.memory_space<hbm>>
    tpu.enqueue_indirect_dma source(%dma_start3A_95 : memref<1000000xf32, #tpu.memory_space<hbm>>) target(%dma_start3A_90 : memref<128xf32, #tpu.memory_space<vmem>>) offsets(%dma_start3A_93 : memref<128xi32, #tpu.memory_space<vmem>>) semaphore(%arg18 : memref<!tpu.dma_semaphore, #tpu.memory_space<semaphore_mem>>)
    %dma_start3A_96 = arith.constant 2 : i32
    %dma_start3A_97 = arith.constant 256 : i32
    %dma_start3A_98 = tpu.memref_slice %arg14[%dma_start3A_97] : memref<512xf32, #tpu.memory_space<vmem>> -> memref<128xf32, #tpu.memory_space<vmem>>
    %dma_start3A_99 = arith.constant 0 : i32
    %dma_start3A_100 = tpu.memref_slice %arg10[%dma_start3A_96, %dma_start3A_99] : memref<4x128xi32, #tpu.memory_space<vmem>> -> memref<1x128xi32, #tpu.memory_space<vmem>>
    %dma_start3A_101 = tpu.memref_squeeze %dma_start3A_100 : memref<1x128xi32, #tpu.memory_space<vmem>> -> memref<128xi32, #tpu.memory_space<vmem>>
    %dma_start3A_102 = arith.constant 0 : i32
    %dma_start3A_103 = tpu.memref_slice %arg5[%dma_start3A_102] : memref<100000xf32, #tpu.memory_space<hbm>> -> memref<100000xf32, #tpu.memory_space<hbm>>
    tpu.enqueue_indirect_dma source(%dma_start3A_103 : memref<100000xf32, #tpu.memory_space<hbm>>) target(%dma_start3A_98 : memref<128xf32, #tpu.memory_space<vmem>>) offsets(%dma_start3A_101 : memref<128xi32, #tpu.memory_space<vmem>>) semaphore(%arg18 : memref<!tpu.dma_semaphore, #tpu.memory_space<semaphore_mem>>)
    %dma_wait3A_104 = arith.constant 2 : i32
    %dma_wait3A_105 = arith.constant 256 : i32
    %dma_wait3A_106 = tpu.memref_slice %arg13[%dma_wait3A_105] : memref<512xf32, #tpu.memory_space<vmem>> -> memref<128xf32, #tpu.memory_space<vmem>>
    %dma_wait3A_107 = arith.constant 0 : i32
    %dma_wait3A_108 = tpu.memref_slice %arg9[%dma_wait3A_104, %dma_wait3A_107] : memref<4x128xi32, #tpu.memory_space<vmem>> -> memref<1x128xi32, #tpu.memory_space<vmem>>
    %dma_wait3A_109 = tpu.memref_squeeze %dma_wait3A_108 : memref<1x128xi32, #tpu.memory_space<vmem>> -> memref<128xi32, #tpu.memory_space<vmem>>
    %dma_wait3A_110 = arith.constant 0 : i32
    %dma_wait3A_111 = tpu.memref_slice %arg4[%dma_wait3A_110] : memref<1000000xf32, #tpu.memory_space<hbm>> -> memref<1000000xf32, #tpu.memory_space<hbm>>
    tpu.wait_indirect_dma semaphore(%arg18 : memref<!tpu.dma_semaphore, #tpu.memory_space<semaphore_mem>>) src(%dma_wait3A_111 : memref<1000000xf32, #tpu.memory_space<hbm>>) dst(%dma_wait3A_106 : memref<128xf32, #tpu.memory_space<vmem>>)
    %dma_wait3A_112 = arith.constant 2 : i32
    %dma_wait3A_113 = arith.constant 256 : i32
    %dma_wait3A_114 = tpu.memref_slice %arg14[%dma_wait3A_113] : memref<512xf32, #tpu.memory_space<vmem>> -> memref<128xf32, #tpu.memory_space<vmem>>
    %dma_wait3A_115 = arith.constant 0 : i32
    %dma_wait3A_116 = tpu.memref_slice %arg10[%dma_wait3A_112, %dma_wait3A_115] : memref<4x128xi32, #tpu.memory_space<vmem>> -> memref<1x128xi32, #tpu.memory_space<vmem>>
    %dma_wait3A_117 = tpu.memref_squeeze %dma_wait3A_116 : memref<1x128xi32, #tpu.memory_space<vmem>> -> memref<128xi32, #tpu.memory_space<vmem>>
    %dma_wait3A_118 = arith.constant 0 : i32
    %dma_wait3A_119 = tpu.memref_slice %arg5[%dma_wait3A_118] : memref<100000xf32, #tpu.memory_space<hbm>> -> memref<100000xf32, #tpu.memory_space<hbm>>
    tpu.wait_indirect_dma semaphore(%arg18 : memref<!tpu.dma_semaphore, #tpu.memory_space<semaphore_mem>>) src(%dma_wait3A_119 : memref<100000xf32, #tpu.memory_space<hbm>>) dst(%dma_wait3A_114 : memref<128xf32, #tpu.memory_space<vmem>>)
    %dma_start3A_120 = arith.constant 3 : i32
    %dma_start3A_121 = arith.constant 384 : i32
    %dma_start3A_122 = tpu.memref_slice %arg13[%dma_start3A_121] : memref<512xf32, #tpu.memory_space<vmem>> -> memref<128xf32, #tpu.memory_space<vmem>>
    %dma_start3A_123 = arith.constant 0 : i32
    %dma_start3A_124 = tpu.memref_slice %arg9[%dma_start3A_120, %dma_start3A_123] : memref<4x128xi32, #tpu.memory_space<vmem>> -> memref<1x128xi32, #tpu.memory_space<vmem>>
    %dma_start3A_125 = tpu.memref_squeeze %dma_start3A_124 : memref<1x128xi32, #tpu.memory_space<vmem>> -> memref<128xi32, #tpu.memory_space<vmem>>
    %dma_start3A_126 = arith.constant 0 : i32
    %dma_start3A_127 = tpu.memref_slice %arg4[%dma_start3A_126] : memref<1000000xf32, #tpu.memory_space<hbm>> -> memref<1000000xf32, #tpu.memory_space<hbm>>
    tpu.enqueue_indirect_dma source(%dma_start3A_127 : memref<1000000xf32, #tpu.memory_space<hbm>>) target(%dma_start3A_122 : memref<128xf32, #tpu.memory_space<vmem>>) offsets(%dma_start3A_125 : memref<128xi32, #tpu.memory_space<vmem>>) semaphore(%arg18 : memref<!tpu.dma_semaphore, #tpu.memory_space<semaphore_mem>>)
    %dma_start3A_128 = arith.constant 3 : i32
    %dma_start3A_129 = arith.constant 384 : i32
    %dma_start3A_130 = tpu.memref_slice %arg14[%dma_start3A_129] : memref<512xf32, #tpu.memory_space<vmem>> -> memref<128xf32, #tpu.memory_space<vmem>>
    %dma_start3A_131 = arith.constant 0 : i32
    %dma_start3A_132 = tpu.memref_slice %arg10[%dma_start3A_128, %dma_start3A_131] : memref<4x128xi32, #tpu.memory_space<vmem>> -> memref<1x128xi32, #tpu.memory_space<vmem>>
    %dma_start3A_133 = tpu.memref_squeeze %dma_start3A_132 : memref<1x128xi32, #tpu.memory_space<vmem>> -> memref<128xi32, #tpu.memory_space<vmem>>
    %dma_start3A_134 = arith.constant 0 : i32
    %dma_start3A_135 = tpu.memref_slice %arg5[%dma_start3A_134] : memref<100000xf32, #tpu.memory_space<hbm>> -> memref<100000xf32, #tpu.memory_space<hbm>>
    tpu.enqueue_indirect_dma source(%dma_start3A_135 : memref<100000xf32, #tpu.memory_space<hbm>>) target(%dma_start3A_130 : memref<128xf32, #tpu.memory_space<vmem>>) offsets(%dma_start3A_133 : memref<128xi32, #tpu.memory_space<vmem>>) semaphore(%arg18 : memref<!tpu.dma_semaphore, #tpu.memory_space<semaphore_mem>>)
    %dma_wait3A_136 = arith.constant 3 : i32
    %dma_wait3A_137 = arith.constant 384 : i32
    %dma_wait3A_138 = tpu.memref_slice %arg13[%dma_wait3A_137] : memref<512xf32, #tpu.memory_space<vmem>> -> memref<128xf32, #tpu.memory_space<vmem>>
    %dma_wait3A_139 = arith.constant 0 : i32
    %dma_wait3A_140 = tpu.memref_slice %arg9[%dma_wait3A_136, %dma_wait3A_139] : memref<4x128xi32, #tpu.memory_space<vmem>> -> memref<1x128xi32, #tpu.memory_space<vmem>>
    %dma_wait3A_141 = tpu.memref_squeeze %dma_wait3A_140 : memref<1x128xi32, #tpu.memory_space<vmem>> -> memref<128xi32, #tpu.memory_space<vmem>>
    %dma_wait3A_142 = arith.constant 0 : i32
    %dma_wait3A_143 = tpu.memref_slice %arg4[%dma_wait3A_142] : memref<1000000xf32, #tpu.memory_space<hbm>> -> memref<1000000xf32, #tpu.memory_space<hbm>>
    tpu.wait_indirect_dma semaphore(%arg18 : memref<!tpu.dma_semaphore, #tpu.memory_space<semaphore_mem>>) src(%dma_wait3A_143 : memref<1000000xf32, #tpu.memory_space<hbm>>) dst(%dma_wait3A_138 : memref<128xf32, #tpu.memory_space<vmem>>)
    %dma_wait3A_144 = arith.constant 3 : i32
    %dma_wait3A_145 = arith.constant 384 : i32
    %dma_wait3A_146 = tpu.memref_slice %arg14[%dma_wait3A_145] : memref<512xf32, #tpu.memory_space<vmem>> -> memref<128xf32, #tpu.memory_space<vmem>>
    %dma_wait3A_147 = arith.constant 0 : i32
    %dma_wait3A_148 = tpu.memref_slice %arg10[%dma_wait3A_144, %dma_wait3A_147] : memref<4x128xi32, #tpu.memory_space<vmem>> -> memref<1x128xi32, #tpu.memory_space<vmem>>
    %dma_wait3A_149 = tpu.memref_squeeze %dma_wait3A_148 : memref<1x128xi32, #tpu.memory_space<vmem>> -> memref<128xi32, #tpu.memory_space<vmem>>
    %dma_wait3A_150 = arith.constant 0 : i32
    %dma_wait3A_151 = tpu.memref_slice %arg5[%dma_wait3A_150] : memref<100000xf32, #tpu.memory_space<hbm>> -> memref<100000xf32, #tpu.memory_space<hbm>>
    tpu.wait_indirect_dma semaphore(%arg18 : memref<!tpu.dma_semaphore, #tpu.memory_space<semaphore_mem>>) src(%dma_wait3A_151 : memref<100000xf32, #tpu.memory_space<hbm>>) dst(%dma_wait3A_146 : memref<128xf32, #tpu.memory_space<vmem>>)
    %iota3A = tpu.iota {dimensions = array<i32: 0>} : vector<16xi32>
    %mul3A_152 = arith.constant 0 : i32
    %mul3A_153 = vector.broadcast %mul3A_152 : i32 to vector<16xi32>
    %mul3A_154 = arith.muli %iota3A, %mul3A_153 : vector<16xi32>
    %add3A_155 = arith.constant 15 : i32
    %add3A_156 = vector.broadcast %add3A_155 : i32 to vector<16xi32>
    %add3A_157 = arith.addi %mul3A_154, %add3A_156 : vector<16xi32>
    %scan3A = arith.constant 0 : i32
    %scan3A_158 = arith.constant 4 : i32
    %scan3A_159 = arith.addi %scan3A, %scan3A_158 : i32
    %scan3A_160 = arith.constant 1 : i32
    scf.for %scan3A_162 = %scan3A to %scan3A_159 step %scan3A_160  : i32 {
      %mul3A_163 = arith.constant 1 : i32
      %mul3A_164 = arith.muli %scan3A_162, %mul3A_163 : i32
      %add3A_165 = arith.constant 0 : i32
      %add3A_166 = arith.addi %add3A_165, %mul3A_164 : i32
      %dma_start3A_167 = arith.constant 0 : i32
      %dma_start3A_168 = tpu.memref_slice %arg9[%add3A_166, %dma_start3A_167] : memref<4x128xi32, #tpu.memory_space<vmem>> -> memref<1x128xi32, #tpu.memory_space<vmem>>
      %dma_start3A_169 = tpu.memref_squeeze %dma_start3A_168 : memref<1x128xi32, #tpu.memory_space<vmem>> -> memref<128xi32, #tpu.memory_space<vmem>>
      %dma_start3A_170 = arith.constant 0 : i32
      %dma_start3A_171 = arith.constant 0 : i32
      %dma_start3A_172 = tpu.memref_slice %arg2[%dma_start3A_170, %dma_start3A_171] : memref<1000000x128xf32, #tpu.memory_space<hbm>> -> memref<1000000x128xf32, #tpu.memory_space<hbm>>
      tpu.enqueue_indirect_dma source(%dma_start3A_172 : memref<1000000x128xf32, #tpu.memory_space<hbm>>) target(%arg11 : memref<128x128xf32, #tpu.memory_space<vmem>>) offsets(%dma_start3A_169 : memref<128xi32, #tpu.memory_space<vmem>>) semaphore(%arg17 : memref<!tpu.dma_semaphore, #tpu.memory_space<semaphore_mem>>)
      %dma_start3A_173 = arith.constant 0 : i32
      %dma_start3A_174 = tpu.memref_slice %arg10[%add3A_166, %dma_start3A_173] : memref<4x128xi32, #tpu.memory_space<vmem>> -> memref<1x128xi32, #tpu.memory_space<vmem>>
      %dma_start3A_175 = tpu.memref_squeeze %dma_start3A_174 : memref<1x128xi32, #tpu.memory_space<vmem>> -> memref<128xi32, #tpu.memory_space<vmem>>
      %dma_start3A_176 = arith.constant 0 : i32
      %dma_start3A_177 = arith.constant 0 : i32
      %dma_start3A_178 = tpu.memref_slice %arg3[%dma_start3A_176, %dma_start3A_177] : memref<100000x128xf32, #tpu.memory_space<hbm>> -> memref<100000x128xf32, #tpu.memory_space<hbm>>
      tpu.enqueue_indirect_dma source(%dma_start3A_178 : memref<100000x128xf32, #tpu.memory_space<hbm>>) target(%arg12 : memref<128x128xf32, #tpu.memory_space<vmem>>) offsets(%dma_start3A_175 : memref<128xi32, #tpu.memory_space<vmem>>) semaphore(%arg17 : memref<!tpu.dma_semaphore, #tpu.memory_space<semaphore_mem>>)
      %dma_wait3A_179 = arith.constant 0 : i32
      %dma_wait3A_180 = tpu.memref_slice %arg9[%add3A_166, %dma_wait3A_179] : memref<4x128xi32, #tpu.memory_space<vmem>> -> memref<1x128xi32, #tpu.memory_space<vmem>>
      %dma_wait3A_181 = tpu.memref_squeeze %dma_wait3A_180 : memref<1x128xi32, #tpu.memory_space<vmem>> -> memref<128xi32, #tpu.memory_space<vmem>>
      %dma_wait3A_182 = arith.constant 0 : i32
      %dma_wait3A_183 = arith.constant 0 : i32
      %dma_wait3A_184 = tpu.memref_slice %arg2[%dma_wait3A_182, %dma_wait3A_183] : memref<1000000x128xf32, #tpu.memory_space<hbm>> -> memref<1000000x128xf32, #tpu.memory_space<hbm>>
      tpu.wait_indirect_dma semaphore(%arg17 : memref<!tpu.dma_semaphore, #tpu.memory_space<semaphore_mem>>) src(%dma_wait3A_184 : memref<1000000x128xf32, #tpu.memory_space<hbm>>) dst(%arg11 : memref<128x128xf32, #tpu.memory_space<vmem>>)
      %dma_wait3A_185 = arith.constant 0 : i32
      %dma_wait3A_186 = tpu.memref_slice %arg10[%add3A_166, %dma_wait3A_185] : memref<4x128xi32, #tpu.memory_space<vmem>> -> memref<1x128xi32, #tpu.memory_space<vmem>>
      %dma_wait3A_187 = tpu.memref_squeeze %dma_wait3A_186 : memref<1x128xi32, #tpu.memory_space<vmem>> -> memref<128xi32, #tpu.memory_space<vmem>>
      %dma_wait3A_188 = arith.constant 0 : i32
      %dma_wait3A_189 = arith.constant 0 : i32
      %dma_wait3A_190 = tpu.memref_slice %arg3[%dma_wait3A_188, %dma_wait3A_189] : memref<100000x128xf32, #tpu.memory_space<hbm>> -> memref<100000x128xf32, #tpu.memory_space<hbm>>
      tpu.wait_indirect_dma semaphore(%arg17 : memref<!tpu.dma_semaphore, #tpu.memory_space<semaphore_mem>>) src(%dma_wait3A_190 : memref<100000x128xf32, #tpu.memory_space<hbm>>) dst(%arg12 : memref<128x128xf32, #tpu.memory_space<vmem>>)
      %scan3A_191 = arith.constant 0 : i32
      %scan3A_192 = arith.constant 8 : i32
      %scan3A_193 = arith.addi %scan3A_191, %scan3A_192 : i32
      %scan3A_194 = arith.constant 1 : i32
      scf.for %scan3A_196 = %scan3A_191 to %scan3A_193 step %scan3A_194  : i32 {
        %mul3A_197 = arith.constant 1 : i32
        %mul3A_198 = arith.muli %scan3A_196, %mul3A_197 : i32
        %add3A_199 = arith.constant 0 : i32
        %add3A_200 = arith.addi %add3A_199, %mul3A_198 : i32
        %mul3A_201 = arith.constant 16 : i32
        %mul3A_202 = arith.muli %add3A_200, %mul3A_201 : i32
        %add3A_203 = arith.constant 0 : i32
        %add3A_204 = arith.addi %mul3A_202, %add3A_203 : i32
        %get3A = arith.index_cast %add3A_204 : i32 to index
        %get3A_205 = arith.constant 0 : index
        %get3A_206 = tpu.vector_load %arg11[%get3A, %get3A_205] {strides = array<i32>} : memref<128x128xf32, #tpu.memory_space<vmem>>, vector<16xf32>,
        %get3A_207 = arith.index_cast %add3A_204 : i32 to index
        %get3A_208 = arith.constant 0 : index
        %get3A_209 = tpu.vector_load %arg12[%get3A_207, %get3A_208] {strides = array<i32>} : memref<128x128xf32, #tpu.memory_space<vmem>>, vector<16xf32>,
        %mul3A_210 = arith.mulf %get3A_206, %get3A_209 : vector<16xf32>
        %get3A_211 = arith.index_cast %add3A_204 : i32 to index
        %get3A_212 = arith.constant 16 : index
        %get3A_213 = tpu.vector_load %arg11[%get3A_211, %get3A_212] {strides = array<i32>} : memref<128x128xf32, #tpu.memory_space<vmem>>, vector<16xf32>,
        %get3A_214 = arith.index_cast %add3A_204 : i32 to index
        %get3A_215 = arith.constant 16 : index
        %get3A_216 = tpu.vector_load %arg12[%get3A_214, %get3A_215] {strides = array<i32>} : memref<128x128xf32, #tpu.memory_space<vmem>>, vector<16xf32>,
        %mul3A_217 = arith.mulf %get3A_213, %get3A_216 : vector<16xf32>
        %add3A_218 = arith.addf %mul3A_210, %mul3A_217 : vector<16xf32>
        %get3A_219 = arith.index_cast %add3A_204 : i32 to index
        %get3A_220 = arith.constant 32 : index
        %get3A_221 = tpu.vector_load %arg11[%get3A_219, %get3A_220] {strides = array<i32>} : memref<128x128xf32, #tpu.memory_space<vmem>>, vector<16xf32>,
        %get3A_222 = arith.index_cast %add3A_204 : i32 to index
        %get3A_223 = arith.constant 32 : index
        %get3A_224 = tpu.vector_load %arg12[%get3A_222, %get3A_223] {strides = array<i32>} : memref<128x128xf32, #tpu.memory_space<vmem>>, vector<16xf32>,
        %mul3A_225 = arith.mulf %get3A_221, %get3A_224 : vector<16xf32>
        %add3A_226 = arith.addf %add3A_218, %mul3A_225 : vector<16xf32>
        %get3A_227 = arith.index_cast %add3A_204 : i32 to index
        %get3A_228 = arith.constant 48 : index
        %get3A_229 = tpu.vector_load %arg11[%get3A_227, %get3A_228] {strides = array<i32>} : memref<128x128xf32, #tpu.memory_space<vmem>>, vector<16xf32>,
        %get3A_230 = arith.index_cast %add3A_204 : i32 to index
        %get3A_231 = arith.constant 48 : index
        %get3A_232 = tpu.vector_load %arg12[%get3A_230, %get3A_231] {strides = array<i32>} : memref<128x128xf32, #tpu.memory_space<vmem>>, vector<16xf32>,
        %mul3A_233 = arith.mulf %get3A_229, %get3A_232 : vector<16xf32>
        %add3A_234 = arith.addf %add3A_226, %mul3A_233 : vector<16xf32>
        %cumsum3A = arith.constant true
        %cumsum3A_235 = vector.broadcast %cumsum3A : i1 to vector<16xi1>
        %cumsum3A_236 = tpu.scan <sum>, %add3A_234 masked %cumsum3A_235 : vector<16xf32>, vector<16xi1> -> vector<16xf32>
        %swap3A = arith.constant 0 : i32
        %swap3A_237 = arith.index_cast %swap3A : i32 to index
        %swap3A_238 = arith.constant 0 : index
        %swap3A_239 = tpu.vector_load %arg16[%swap3A_237, %swap3A_238] {strides = array<i32>} : memref<16x16xf32, #tpu.memory_space<vmem>>, vector<16xf32>,
        tpu.vector_store %arg16[%swap3A_237, %swap3A_238], %cumsum3A_236 {strides = array<i32>} : memref<16x16xf32, #tpu.memory_space<vmem>>, vector<16xf32>,
        %add3A_240 = arith.constant 1 : i32
        %add3A_241 = arith.addi %mul3A_202, %add3A_240 : i32
        %get3A_242 = arith.index_cast %add3A_241 : i32 to index
        %get3A_243 = arith.constant 0 : index
        %get3A_244 = tpu.vector_load %arg11[%get3A_242, %get3A_243] {strides = array<i32>} : memref<128x128xf32, #tpu.memory_space<vmem>>, vector<16xf32>,
        %get3A_245 = arith.index_cast %add3A_241 : i32 to index
        %get3A_246 = arith.constant 0 : index
        %get3A_247 = tpu.vector_load %arg12[%get3A_245, %get3A_246] {strides = array<i32>} : memref<128x128xf32, #tpu.memory_space<vmem>>, vector<16xf32>,
        %mul3A_248 = arith.mulf %get3A_244, %get3A_247 : vector<16xf32>
        %get3A_249 = arith.index_cast %add3A_241 : i32 to index
        %get3A_250 = arith.constant 16 : index
        %get3A_251 = tpu.vector_load %arg11[%get3A_249, %get3A_250] {strides = array<i32>} : memref<128x128xf32, #tpu.memory_space<vmem>>, vector<16xf32>,
        %get3A_252 = arith.index_cast %add3A_241 : i32 to index
        %get3A_253 = arith.constant 16 : index
        %get3A_254 = tpu.vector_load %arg12[%get3A_252, %get3A_253] {strides = array<i32>} : memref<128x128xf32, #tpu.memory_space<vmem>>, vector<16xf32>,
        %mul3A_255 = arith.mulf %get3A_251, %get3A_254 : vector<16xf32>
        %add3A_256 = arith.addf %mul3A_248, %mul3A_255 : vector<16xf32>
        %get3A_257 = arith.index_cast %add3A_241 : i32 to index
        %get3A_258 = arith.constant 32 : index
        %get3A_259 = tpu.vector_load %arg11[%get3A_257, %get3A_258] {strides = array<i32>} : memref<128x128xf32, #tpu.memory_space<vmem>>, vector<16xf32>,
        %get3A_260 = arith.index_cast %add3A_241 : i32 to index
        %get3A_261 = arith.constant 32 : index
        %get3A_262 = tpu.vector_load %arg12[%get3A_260, %get3A_261] {strides = array<i32>} : memref<128x128xf32, #tpu.memory_space<vmem>>, vector<16xf32>,
        %mul3A_263 = arith.mulf %get3A_259, %get3A_262 : vector<16xf32>
        %add3A_264 = arith.addf %add3A_256, %mul3A_263 : vector<16xf32>
        %get3A_265 = arith.index_cast %add3A_241 : i32 to index
        %get3A_266 = arith.constant 48 : index
        %get3A_267 = tpu.vector_load %arg11[%get3A_265, %get3A_266] {strides = array<i32>} : memref<128x128xf32, #tpu.memory_space<vmem>>, vector<16xf32>,
        %get3A_268 = arith.index_cast %add3A_241 : i32 to index
        %get3A_269 = arith.constant 48 : index
        %get3A_270 = tpu.vector_load %arg12[%get3A_268, %get3A_269] {strides = array<i32>} : memref<128x128xf32, #tpu.memory_space<vmem>>, vector<16xf32>,
        %mul3A_271 = arith.mulf %get3A_267, %get3A_270 : vector<16xf32>
        %add3A_272 = arith.addf %add3A_264, %mul3A_271 : vector<16xf32>
        %cumsum3A_273 = arith.constant true
        %cumsum3A_274 = vector.broadcast %cumsum3A_273 : i1 to vector<16xi1>
        %cumsum3A_275 = tpu.scan <sum>, %add3A_272 masked %cumsum3A_274 : vector<16xf32>, vector<16xi1> -> vector<16xf32>
        %swap3A_276 = arith.constant 1 : i32
        %swap3A_277 = arith.index_cast %swap3A_276 : i32 to index
        %swap3A_278 = arith.constant 0 : index
        %swap3A_279 = tpu.vector_load %arg16[%swap3A_277, %swap3A_278] {strides = array<i32>} : memref<16x16xf32, #tpu.memory_space<vmem>>, vector<16xf32>,
        tpu.vector_store %arg16[%swap3A_277, %swap3A_278], %cumsum3A_275 {strides = array<i32>} : memref<16x16xf32, #tpu.memory_space<vmem>>, vector<16xf32>,
        %add3A_280 = arith.constant 2 : i32
        %add3A_281 = arith.addi %mul3A_202, %add3A_280 : i32
        %get3A_282 = arith.index_cast %add3A_281 : i32 to index
        %get3A_283 = arith.constant 0 : index
        %get3A_284 = tpu.vector_load %arg11[%get3A_282, %get3A_283] {strides = array<i32>} : memref<128x128xf32, #tpu.memory_space<vmem>>, vector<16xf32>,
        %get3A_285 = arith.index_cast %add3A_281 : i32 to index
        %get3A_286 = arith.constant 0 : index
        %get3A_287 = tpu.vector_load %arg12[%get3A_285, %get3A_286] {strides = array<i32>} : memref<128x128xf32, #tpu.memory_space<vmem>>, vector<16xf32>,
        %mul3A_288 = arith.mulf %get3A_284, %get3A_287 : vector<16xf32>
        %get3A_289 = arith.index_cast %add3A_281 : i32 to index
        %get3A_290 = arith.constant 16 : index
        %get3A_291 = tpu.vector_load %arg11[%get3A_289, %get3A_290] {strides = array<i32>} : memref<128x128xf32, #tpu.memory_space<vmem>>, vector<16xf32>,
        %get3A_292 = arith.index_cast %add3A_281 : i32 to index
        %get3A_293 = arith.constant 16 : index
        %get3A_294 = tpu.vector_load %arg12[%get3A_292, %get3A_293] {strides = array<i32>} : memref<128x128xf32, #tpu.memory_space<vmem>>, vector<16xf32>,
        %mul3A_295 = arith.mulf %get3A_291, %get3A_294 : vector<16xf32>
        %add3A_296 = arith.addf %mul3A_288, %mul3A_295 : vector<16xf32>
        %get3A_297 = arith.index_cast %add3A_281 : i32 to index
        %get3A_298 = arith.constant 32 : index
        %get3A_299 = tpu.vector_load %arg11[%get3A_297, %get3A_298] {strides = array<i32>} : memref<128x128xf32, #tpu.memory_space<vmem>>, vector<16xf32>,
        %get3A_300 = arith.index_cast %add3A_281 : i32 to index
        %get3A_301 = arith.constant 32 : index
        %get3A_302 = tpu.vector_load %arg12[%get3A_300, %get3A_301] {strides = array<i32>} : memref<128x128xf32, #tpu.memory_space<vmem>>, vector<16xf32>,
        %mul3A_303 = arith.mulf %get3A_299, %get3A_302 : vector<16xf32>
        %add3A_304 = arith.addf %add3A_296, %mul3A_303 : vector<16xf32>
        %get3A_305 = arith.index_cast %add3A_281 : i32 to index
        %get3A_306 = arith.constant 48 : index
        %get3A_307 = tpu.vector_load %arg11[%get3A_305, %get3A_306] {strides = array<i32>} : memref<128x128xf32, #tpu.memory_space<vmem>>, vector<16xf32>,
        %get3A_308 = arith.index_cast %add3A_281 : i32 to index
        %get3A_309 = arith.constant 48 : index
        %get3A_310 = tpu.vector_load %arg12[%get3A_308, %get3A_309] {strides = array<i32>} : memref<128x128xf32, #tpu.memory_space<vmem>>, vector<16xf32>,
        %mul3A_311 = arith.mulf %get3A_307, %get3A_310 : vector<16xf32>
        %add3A_312 = arith.addf %add3A_304, %mul3A_311 : vector<16xf32>
        %cumsum3A_313 = arith.constant true
        %cumsum3A_314 = vector.broadcast %cumsum3A_313 : i1 to vector<16xi1>
        %cumsum3A_315 = tpu.scan <sum>, %add3A_312 masked %cumsum3A_314 : vector<16xf32>, vector<16xi1> -> vector<16xf32>
        %swap3A_316 = arith.constant 2 : i32
        %swap3A_317 = arith.index_cast %swap3A_316 : i32 to index
        %swap3A_318 = arith.constant 0 : index
        %swap3A_319 = tpu.vector_load %arg16[%swap3A_317, %swap3A_318] {strides = array<i32>} : memref<16x16xf32, #tpu.memory_space<vmem>>, vector<16xf32>,
        tpu.vector_store %arg16[%swap3A_317, %swap3A_318], %cumsum3A_315 {strides = array<i32>} : memref<16x16xf32, #tpu.memory_space<vmem>>, vector<16xf32>,
        %add3A_320 = arith.constant 3 : i32
        %add3A_321 = arith.addi %mul3A_202, %add3A_320 : i32
        %get3A_322 = arith.index_cast %add3A_321 : i32 to index
        %get3A_323 = arith.constant 0 : index
        %get3A_324 = tpu.vector_load %arg11[%get3A_322, %get3A_323] {strides = array<i32>} : memref<128x128xf32, #tpu.memory_space<vmem>>, vector<16xf32>,
        %get3A_325 = arith.index_cast %add3A_321 : i32 to index
        %get3A_326 = arith.constant 0 : index
        %get3A_327 = tpu.vector_load %arg12[%get3A_325, %get3A_326] {strides = array<i32>} : memref<128x128xf32, #tpu.memory_space<vmem>>, vector<16xf32>,
        %mul3A_328 = arith.mulf %get3A_324, %get3A_327 : vector<16xf32>
        %get3A_329 = arith.index_cast %add3A_321 : i32 to index
        %get3A_330 = arith.constant 16 : index
        %get3A_331 = tpu.vector_load %arg11[%get3A_329, %get3A_330] {strides = array<i32>} : memref<128x128xf32, #tpu.memory_space<vmem>>, vector<16xf32>,
        %get3A_332 = arith.index_cast %add3A_321 : i32 to index
        %get3A_333 = arith.constant 16 : index
        %get3A_334 = tpu.vector_load %arg12[%get3A_332, %get3A_333] {strides = array<i32>} : memref<128x128xf32, #tpu.memory_space<vmem>>, vector<16xf32>,
        %mul3A_335 = arith.mulf %get3A_331, %get3A_334 : vector<16xf32>
        %add3A_336 = arith.addf %mul3A_328, %mul3A_335 : vector<16xf32>
        %get3A_337 = arith.index_cast %add3A_321 : i32 to index
        %get3A_338 = arith.constant 32 : index
        %get3A_339 = tpu.vector_load %arg11[%get3A_337, %get3A_338] {strides = array<i32>} : memref<128x128xf32, #tpu.memory_space<vmem>>, vector<16xf32>,
        %get3A_340 = arith.index_cast %add3A_321 : i32 to index
        %get3A_341 = arith.constant 32 : index
        %get3A_342 = tpu.vector_load %arg12[%get3A_340, %get3A_341] {strides = array<i32>} : memref<128x128xf32, #tpu.memory_space<vmem>>, vector<16xf32>,
        %mul3A_343 = arith.mulf %get3A_339, %get3A_342 : vector<16xf32>
        %add3A_344 = arith.addf %add3A_336, %mul3A_343 : vector<16xf32>
        %get3A_345 = arith.index_cast %add3A_321 : i32 to index
        %get3A_346 = arith.constant 48 : index
        %get3A_347 = tpu.vector_load %arg11[%get3A_345, %get3A_346] {strides = array<i32>} : memref<128x128xf32, #tpu.memory_space<vmem>>, vector<16xf32>,
        %get3A_348 = arith.index_cast %add3A_321 : i32 to index
        %get3A_349 = arith.constant 48 : index
        %get3A_350 = tpu.vector_load %arg12[%get3A_348, %get3A_349] {strides = array<i32>} : memref<128x128xf32, #tpu.memory_space<vmem>>, vector<16xf32>,
        %mul3A_351 = arith.mulf %get3A_347, %get3A_350 : vector<16xf32>
        %add3A_352 = arith.addf %add3A_344, %mul3A_351 : vector<16xf32>
        %cumsum3A_353 = arith.constant true
        %cumsum3A_354 = vector.broadcast %cumsum3A_353 : i1 to vector<16xi1>
        %cumsum3A_355 = tpu.scan <sum>, %add3A_352 masked %cumsum3A_354 : vector<16xf32>, vector<16xi1> -> vector<16xf32>
        %swap3A_356 = arith.constant 3 : i32
        %swap3A_357 = arith.index_cast %swap3A_356 : i32 to index
        %swap3A_358 = arith.constant 0 : index
        %swap3A_359 = tpu.vector_load %arg16[%swap3A_357, %swap3A_358] {strides = array<i32>} : memref<16x16xf32, #tpu.memory_space<vmem>>, vector<16xf32>,
        tpu.vector_store %arg16[%swap3A_357, %swap3A_358], %cumsum3A_355 {strides = array<i32>} : memref<16x16xf32, #tpu.memory_space<vmem>>, vector<16xf32>,
        %add3A_360 = arith.constant 4 : i32
        %add3A_361 = arith.addi %mul3A_202, %add3A_360 : i32
        %get3A_362 = arith.index_cast %add3A_361 : i32 to index
        %get3A_363 = arith.constant 0 : index
        %get3A_364 = tpu.vector_load %arg11[%get3A_362, %get3A_363] {strides = array<i32>} : memref<128x128xf32, #tpu.memory_space<vmem>>, vector<16xf32>,
        %get3A_365 = arith.index_cast %add3A_361 : i32 to index
        %get3A_366 = arith.constant 0 : index
        %get3A_367 = tpu.vector_load %arg12[%get3A_365, %get3A_366] {strides = array<i32>} : memref<128x128xf32, #tpu.memory_space<vmem>>, vector<16xf32>,
        %mul3A_368 = arith.mulf %get3A_364, %get3A_367 : vector<16xf32>
        %get3A_369 = arith.index_cast %add3A_361 : i32 to index
        %get3A_370 = arith.constant 16 : index
        %get3A_371 = tpu.vector_load %arg11[%get3A_369, %get3A_370] {strides = array<i32>} : memref<128x128xf32, #tpu.memory_space<vmem>>, vector<16xf32>,
        %get3A_372 = arith.index_cast %add3A_361 : i32 to index
        %get3A_373 = arith.constant 16 : index
        %get3A_374 = tpu.vector_load %arg12[%get3A_372, %get3A_373] {strides = array<i32>} : memref<128x128xf32, #tpu.memory_space<vmem>>, vector<16xf32>,
        %mul3A_375 = arith.mulf %get3A_371, %get3A_374 : vector<16xf32>
        %add3A_376 = arith.addf %mul3A_368, %mul3A_375 : vector<16xf32>
        %get3A_377 = arith.index_cast %add3A_361 : i32 to index
        %get3A_378 = arith.constant 32 : index
        %get3A_379 = tpu.vector_load %arg11[%get3A_377, %get3A_378] {strides = array<i32>} : memref<128x128xf32, #tpu.memory_space<vmem>>, vector<16xf32>,
        %get3A_380 = arith.index_cast %add3A_361 : i32 to index
        %get3A_381 = arith.constant 32 : index
        %get3A_382 = tpu.vector_load %arg12[%get3A_380, %get3A_381] {strides = array<i32>} : memref<128x128xf32, #tpu.memory_space<vmem>>, vector<16xf32>,
        %mul3A_383 = arith.mulf %get3A_379, %get3A_382 : vector<16xf32>
        %add3A_384 = arith.addf %add3A_376, %mul3A_383 : vector<16xf32>
        %get3A_385 = arith.index_cast %add3A_361 : i32 to index
        %get3A_386 = arith.constant 48 : index
        %get3A_387 = tpu.vector_load %arg11[%get3A_385, %get3A_386] {strides = array<i32>} : memref<128x128xf32, #tpu.memory_space<vmem>>, vector<16xf32>,
        %get3A_388 = arith.index_cast %add3A_361 : i32 to index
        %get3A_389 = arith.constant 48 : index
        %get3A_390 = tpu.vector_load %arg12[%get3A_388, %get3A_389] {strides = array<i32>} : memref<128x128xf32, #tpu.memory_space<vmem>>, vector<16xf32>,
        %mul3A_391 = arith.mulf %get3A_387, %get3A_390 : vector<16xf32>
        %add3A_392 = arith.addf %add3A_384, %mul3A_391 : vector<16xf32>
        %cumsum3A_393 = arith.constant true
        %cumsum3A_394 = vector.broadcast %cumsum3A_393 : i1 to vector<16xi1>
        %cumsum3A_395 = tpu.scan <sum>, %add3A_392 masked %cumsum3A_394 : vector<16xf32>, vector<16xi1> -> vector<16xf32>
        %swap3A_396 = arith.constant 4 : i32
        %swap3A_397 = arith.index_cast %swap3A_396 : i32 to index
        %swap3A_398 = arith.constant 0 : index
        %swap3A_399 = tpu.vector_load %arg16[%swap3A_397, %swap3A_398] {strides = array<i32>} : memref<16x16xf32, #tpu.memory_space<vmem>>, vector<16xf32>,
        tpu.vector_store %arg16[%swap3A_397, %swap3A_398], %cumsum3A_395 {strides = array<i32>} : memref<16x16xf32, #tpu.memory_space<vmem>>, vector<16xf32>,
        %add3A_400 = arith.constant 5 : i32
        %add3A_401 = arith.addi %mul3A_202, %add3A_400 : i32
        %get3A_402 = arith.index_cast %add3A_401 : i32 to index
        %get3A_403 = arith.constant 0 : index
        %get3A_404 = tpu.vector_load %arg11[%get3A_402, %get3A_403] {strides = array<i32>} : memref<128x128xf32, #tpu.memory_space<vmem>>, vector<16xf32>,
        %get3A_405 = arith.index_cast %add3A_401 : i32 to index
        %get3A_406 = arith.constant 0 : index
        %get3A_407 = tpu.vector_load %arg12[%get3A_405, %get3A_406] {strides = array<i32>} : memref<128x128xf32, #tpu.memory_space<vmem>>, vector<16xf32>,
        %mul3A_408 = arith.mulf %get3A_404, %get3A_407 : vector<16xf32>
        %get3A_409 = arith.index_cast %add3A_401 : i32 to index
        %get3A_410 = arith.constant 16 : index
        %get3A_411 = tpu.vector_load %arg11[%get3A_409, %get3A_410] {strides = array<i32>} : memref<128x128xf32, #tpu.memory_space<vmem>>, vector<16xf32>,
        %get3A_412 = arith.index_cast %add3A_401 : i32 to index
        %get3A_413 = arith.constant 16 : index
        %get3A_414 = tpu.vector_load %arg12[%get3A_412, %get3A_413] {strides = array<i32>} : memref<128x128xf32, #tpu.memory_space<vmem>>, vector<16xf32>,
        %mul3A_415 = arith.mulf %get3A_411, %get3A_414 : vector<16xf32>
        %add3A_416 = arith.addf %mul3A_408, %mul3A_415 : vector<16xf32>
        %get3A_417 = arith.index_cast %add3A_401 : i32 to index
        %get3A_418 = arith.constant 32 : index
        %get3A_419 = tpu.vector_load %arg11[%get3A_417, %get3A_418] {strides = array<i32>} : memref<128x128xf32, #tpu.memory_space<vmem>>, vector<16xf32>,
        %get3A_420 = arith.index_cast %add3A_401 : i32 to index
        %get3A_421 = arith.constant 32 : index
        %get3A_422 = tpu.vector_load %arg12[%get3A_420, %get3A_421] {strides = array<i32>} : memref<128x128xf32, #tpu.memory_space<vmem>>, vector<16xf32>,
        %mul3A_423 = arith.mulf %get3A_419, %get3A_422 : vector<16xf32>
        %add3A_424 = arith.addf %add3A_416, %mul3A_423 : vector<16xf32>
        %get3A_425 = arith.index_cast %add3A_401 : i32 to index
        %get3A_426 = arith.constant 48 : index
        %get3A_427 = tpu.vector_load %arg11[%get3A_425, %get3A_426] {strides = array<i32>} : memref<128x128xf32, #tpu.memory_space<vmem>>, vector<16xf32>,
        %get3A_428 = arith.index_cast %add3A_401 : i32 to index
        %get3A_429 = arith.constant 48 : index
        %get3A_430 = tpu.vector_load %arg12[%get3A_428, %get3A_429] {strides = array<i32>} : memref<128x128xf32, #tpu.memory_space<vmem>>, vector<16xf32>,
        %mul3A_431 = arith.mulf %get3A_427, %get3A_430 : vector<16xf32>
        %add3A_432 = arith.addf %add3A_424, %mul3A_431 : vector<16xf32>
        %cumsum3A_433 = arith.constant true
        %cumsum3A_434 = vector.broadcast %cumsum3A_433 : i1 to vector<16xi1>
        %cumsum3A_435 = tpu.scan <sum>, %add3A_432 masked %cumsum3A_434 : vector<16xf32>, vector<16xi1> -> vector<16xf32>
        %swap3A_436 = arith.constant 5 : i32
        %swap3A_437 = arith.index_cast %swap3A_436 : i32 to index
        %swap3A_438 = arith.constant 0 : index
        %swap3A_439 = tpu.vector_load %arg16[%swap3A_437, %swap3A_438] {strides = array<i32>} : memref<16x16xf32, #tpu.memory_space<vmem>>, vector<16xf32>,
        tpu.vector_store %arg16[%swap3A_437, %swap3A_438], %cumsum3A_435 {strides = array<i32>} : memref<16x16xf32, #tpu.memory_space<vmem>>, vector<16xf32>,
        %add3A_440 = arith.constant 6 : i32
        %add3A_441 = arith.addi %mul3A_202, %add3A_440 : i32
        %get3A_442 = arith.index_cast %add3A_441 : i32 to index
        %get3A_443 = arith.constant 0 : index
        %get3A_444 = tpu.vector_load %arg11[%get3A_442, %get3A_443] {strides = array<i32>} : memref<128x128xf32, #tpu.memory_space<vmem>>, vector<16xf32>,
        %get3A_445 = arith.index_cast %add3A_441 : i32 to index
        %get3A_446 = arith.constant 0 : index
        %get3A_447 = tpu.vector_load %arg12[%get3A_445, %get3A_446] {strides = array<i32>} : memref<128x128xf32, #tpu.memory_space<vmem>>, vector<16xf32>,
        %mul3A_448 = arith.mulf %get3A_444, %get3A_447 : vector<16xf32>
        %get3A_449 = arith.index_cast %add3A_441 : i32 to index
        %get3A_450 = arith.constant 16 : index
        %get3A_451 = tpu.vector_load %arg11[%get3A_449, %get3A_450] {strides = array<i32>} : memref<128x128xf32, #tpu.memory_space<vmem>>, vector<16xf32>,
        %get3A_452 = arith.index_cast %add3A_441 : i32 to index
        %get3A_453 = arith.constant 16 : index
        %get3A_454 = tpu.vector_load %arg12[%get3A_452, %get3A_453] {strides = array<i32>} : memref<128x128xf32, #tpu.memory_space<vmem>>, vector<16xf32>,
        %mul3A_455 = arith.mulf %get3A_451, %get3A_454 : vector<16xf32>
        %add3A_456 = arith.addf %mul3A_448, %mul3A_455 : vector<16xf32>
        %get3A_457 = arith.index_cast %add3A_441 : i32 to index
        %get3A_458 = arith.constant 32 : index
        %get3A_459 = tpu.vector_load %arg11[%get3A_457, %get3A_458] {strides = array<i32>} : memref<128x128xf32, #tpu.memory_space<vmem>>, vector<16xf32>,
        %get3A_460 = arith.index_cast %add3A_441 : i32 to index
        %get3A_461 = arith.constant 32 : index
        %get3A_462 = tpu.vector_load %arg12[%get3A_460, %get3A_461] {strides = array<i32>} : memref<128x128xf32, #tpu.memory_space<vmem>>, vector<16xf32>,
        %mul3A_463 = arith.mulf %get3A_459, %get3A_462 : vector<16xf32>
        %add3A_464 = arith.addf %add3A_456, %mul3A_463 : vector<16xf32>
        %get3A_465 = arith.index_cast %add3A_441 : i32 to index
        %get3A_466 = arith.constant 48 : index
        %get3A_467 = tpu.vector_load %arg11[%get3A_465, %get3A_466] {strides = array<i32>} : memref<128x128xf32, #tpu.memory_space<vmem>>, vector<16xf32>,
        %get3A_468 = arith.index_cast %add3A_441 : i32 to index
        %get3A_469 = arith.constant 48 : index
        %get3A_470 = tpu.vector_load %arg12[%get3A_468, %get3A_469] {strides = array<i32>} : memref<128x128xf32, #tpu.memory_space<vmem>>, vector<16xf32>,
        %mul3A_471 = arith.mulf %get3A_467, %get3A_470 : vector<16xf32>
        %add3A_472 = arith.addf %add3A_464, %mul3A_471 : vector<16xf32>
        %cumsum3A_473 = arith.constant true
        %cumsum3A_474 = vector.broadcast %cumsum3A_473 : i1 to vector<16xi1>
        %cumsum3A_475 = tpu.scan <sum>, %add3A_472 masked %cumsum3A_474 : vector<16xf32>, vector<16xi1> -> vector<16xf32>
        %swap3A_476 = arith.constant 6 : i32
        %swap3A_477 = arith.index_cast %swap3A_476 : i32 to index
        %swap3A_478 = arith.constant 0 : index
        %swap3A_479 = tpu.vector_load %arg16[%swap3A_477, %swap3A_478] {strides = array<i32>} : memref<16x16xf32, #tpu.memory_space<vmem>>, vector<16xf32>,
        tpu.vector_store %arg16[%swap3A_477, %swap3A_478], %cumsum3A_475 {strides = array<i32>} : memref<16x16xf32, #tpu.memory_space<vmem>>, vector<16xf32>,
        %add3A_480 = arith.constant 7 : i32
        %add3A_481 = arith.addi %mul3A_202, %add3A_480 : i32
        %get3A_482 = arith.index_cast %add3A_481 : i32 to index
        %get3A_483 = arith.constant 0 : index
        %get3A_484 = tpu.vector_load %arg11[%get3A_482, %get3A_483] {strides = array<i32>} : memref<128x128xf32, #tpu.memory_space<vmem>>, vector<16xf32>,
        %get3A_485 = arith.index_cast %add3A_481 : i32 to index
        %get3A_486 = arith.constant 0 : index
        %get3A_487 = tpu.vector_load %arg12[%get3A_485, %get3A_486] {strides = array<i32>} : memref<128x128xf32, #tpu.memory_space<vmem>>, vector<16xf32>,
        %mul3A_488 = arith.mulf %get3A_484, %get3A_487 : vector<16xf32>
        %get3A_489 = arith.index_cast %add3A_481 : i32 to index
        %get3A_490 = arith.constant 16 : index
        %get3A_491 = tpu.vector_load %arg11[%get3A_489, %get3A_490] {strides = array<i32>} : memref<128x128xf32, #tpu.memory_space<vmem>>, vector<16xf32>,
        %get3A_492 = arith.index_cast %add3A_481 : i32 to index
        %get3A_493 = arith.constant 16 : index
        %get3A_494 = tpu.vector_load %arg12[%get3A_492, %get3A_493] {strides = array<i32>} : memref<128x128xf32, #tpu.memory_space<vmem>>, vector<16xf32>,
        %mul3A_495 = arith.mulf %get3A_491, %get3A_494 : vector<16xf32>
        %add3A_496 = arith.addf %mul3A_488, %mul3A_495 : vector<16xf32>
        %get3A_497 = arith.index_cast %add3A_481 : i32 to index
        %get3A_498 = arith.constant 32 : index
        %get3A_499 = tpu.vector_load %arg11[%get3A_497, %get3A_498] {strides = array<i32>} : memref<128x128xf32, #tpu.memory_space<vmem>>, vector<16xf32>,
        %get3A_500 = arith.index_cast %add3A_481 : i32 to index
        %get3A_501 = arith.constant 32 : index
        %get3A_502 = tpu.vector_load %arg12[%get3A_500, %get3A_501] {strides = array<i32>} : memref<128x128xf32, #tpu.memory_space<vmem>>, vector<16xf32>,
        %mul3A_503 = arith.mulf %get3A_499, %get3A_502 : vector<16xf32>
        %add3A_504 = arith.addf %add3A_496, %mul3A_503 : vector<16xf32>
        %get3A_505 = arith.index_cast %add3A_481 : i32 to index
        %get3A_506 = arith.constant 48 : index
        %get3A_507 = tpu.vector_load %arg11[%get3A_505, %get3A_506] {strides = array<i32>} : memref<128x128xf32, #tpu.memory_space<vmem>>, vector<16xf32>,
        %get3A_508 = arith.index_cast %add3A_481 : i32 to index
        %get3A_509 = arith.constant 48 : index
        %get3A_510 = tpu.vector_load %arg12[%get3A_508, %get3A_509] {strides = array<i32>} : memref<128x128xf32, #tpu.memory_space<vmem>>, vector<16xf32>,
        %mul3A_511 = arith.mulf %get3A_507, %get3A_510 : vector<16xf32>
        %add3A_512 = arith.addf %add3A_504, %mul3A_511 : vector<16xf32>
        %cumsum3A_513 = arith.constant true
        %cumsum3A_514 = vector.broadcast %cumsum3A_513 : i1 to vector<16xi1>
        %cumsum3A_515 = tpu.scan <sum>, %add3A_512 masked %cumsum3A_514 : vector<16xf32>, vector<16xi1> -> vector<16xf32>
        %swap3A_516 = arith.constant 7 : i32
        %swap3A_517 = arith.index_cast %swap3A_516 : i32 to index
        %swap3A_518 = arith.constant 0 : index
        %swap3A_519 = tpu.vector_load %arg16[%swap3A_517, %swap3A_518] {strides = array<i32>} : memref<16x16xf32, #tpu.memory_space<vmem>>, vector<16xf32>,
        tpu.vector_store %arg16[%swap3A_517, %swap3A_518], %cumsum3A_515 {strides = array<i32>} : memref<16x16xf32, #tpu.memory_space<vmem>>, vector<16xf32>,
        %add3A_520 = arith.constant 8 : i32
        %add3A_521 = arith.addi %mul3A_202, %add3A_520 : i32
        %get3A_522 = arith.index_cast %add3A_521 : i32 to index
        %get3A_523 = arith.constant 0 : index
        %get3A_524 = tpu.vector_load %arg11[%get3A_522, %get3A_523] {strides = array<i32>} : memref<128x128xf32, #tpu.memory_space<vmem>>, vector<16xf32>,
        %get3A_525 = arith.index_cast %add3A_521 : i32 to index
        %get3A_526 = arith.constant 0 : index
        %get3A_527 = tpu.vector_load %arg12[%get3A_525, %get3A_526] {strides = array<i32>} : memref<128x128xf32, #tpu.memory_space<vmem>>, vector<16xf32>,
        %mul3A_528 = arith.mulf %get3A_524, %get3A_527 : vector<16xf32>
        %get3A_529 = arith.index_cast %add3A_521 : i32 to index
        %get3A_530 = arith.constant 16 : index
        %get3A_531 = tpu.vector_load %arg11[%get3A_529, %get3A_530] {strides = array<i32>} : memref<128x128xf32, #tpu.memory_space<vmem>>, vector<16xf32>,
        %get3A_532 = arith.index_cast %add3A_521 : i32 to index
        %get3A_533 = arith.constant 16 : index
        %get3A_534 = tpu.vector_load %arg12[%get3A_532, %get3A_533] {strides = array<i32>} : memref<128x128xf32, #tpu.memory_space<vmem>>, vector<16xf32>,
        %mul3A_535 = arith.mulf %get3A_531, %get3A_534 : vector<16xf32>
        %add3A_536 = arith.addf %mul3A_528, %mul3A_535 : vector<16xf32>
        %get3A_537 = arith.index_cast %add3A_521 : i32 to index
        %get3A_538 = arith.constant 32 : index
        %get3A_539 = tpu.vector_load %arg11[%get3A_537, %get3A_538] {strides = array<i32>} : memref<128x128xf32, #tpu.memory_space<vmem>>, vector<16xf32>,
        %get3A_540 = arith.index_cast %add3A_521 : i32 to index
        %get3A_541 = arith.constant 32 : index
        %get3A_542 = tpu.vector_load %arg12[%get3A_540, %get3A_541] {strides = array<i32>} : memref<128x128xf32, #tpu.memory_space<vmem>>, vector<16xf32>,
        %mul3A_543 = arith.mulf %get3A_539, %get3A_542 : vector<16xf32>
        %add3A_544 = arith.addf %add3A_536, %mul3A_543 : vector<16xf32>
        %get3A_545 = arith.index_cast %add3A_521 : i32 to index
        %get3A_546 = arith.constant 48 : index
        %get3A_547 = tpu.vector_load %arg11[%get3A_545, %get3A_546] {strides = array<i32>} : memref<128x128xf32, #tpu.memory_space<vmem>>, vector<16xf32>,
        %get3A_548 = arith.index_cast %add3A_521 : i32 to index
        %get3A_549 = arith.constant 48 : index
        %get3A_550 = tpu.vector_load %arg12[%get3A_548, %get3A_549] {strides = array<i32>} : memref<128x128xf32, #tpu.memory_space<vmem>>, vector<16xf32>,
        %mul3A_551 = arith.mulf %get3A_547, %get3A_550 : vector<16xf32>
        %add3A_552 = arith.addf %add3A_544, %mul3A_551 : vector<16xf32>
        %cumsum3A_553 = arith.constant true
        %cumsum3A_554 = vector.broadcast %cumsum3A_553 : i1 to vector<16xi1>
        %cumsum3A_555 = tpu.scan <sum>, %add3A_552 masked %cumsum3A_554 : vector<16xf32>, vector<16xi1> -> vector<16xf32>
        %swap3A_556 = arith.constant 8 : i32
        %swap3A_557 = arith.index_cast %swap3A_556 : i32 to index
        %swap3A_558 = arith.constant 0 : index
        %swap3A_559 = tpu.vector_load %arg16[%swap3A_557, %swap3A_558] {strides = array<i32>} : memref<16x16xf32, #tpu.memory_space<vmem>>, vector<16xf32>,
        tpu.vector_store %arg16[%swap3A_557, %swap3A_558], %cumsum3A_555 {strides = array<i32>} : memref<16x16xf32, #tpu.memory_space<vmem>>, vector<16xf32>,
        %add3A_560 = arith.constant 9 : i32
        %add3A_561 = arith.addi %mul3A_202, %add3A_560 : i32
        %get3A_562 = arith.index_cast %add3A_561 : i32 to index
        %get3A_563 = arith.constant 0 : index
        %get3A_564 = tpu.vector_load %arg11[%get3A_562, %get3A_563] {strides = array<i32>} : memref<128x128xf32, #tpu.memory_space<vmem>>, vector<16xf32>,
        %get3A_565 = arith.index_cast %add3A_561 : i32 to index
        %get3A_566 = arith.constant 0 : index
        %get3A_567 = tpu.vector_load %arg12[%get3A_565, %get3A_566] {strides = array<i32>} : memref<128x128xf32, #tpu.memory_space<vmem>>, vector<16xf32>,
        %mul3A_568 = arith.mulf %get3A_564, %get3A_567 : vector<16xf32>
        %get3A_569 = arith.index_cast %add3A_561 : i32 to index
        %get3A_570 = arith.constant 16 : index
        %get3A_571 = tpu.vector_load %arg11[%get3A_569, %get3A_570] {strides = array<i32>} : memref<128x128xf32, #tpu.memory_space<vmem>>, vector<16xf32>,
        %get3A_572 = arith.index_cast %add3A_561 : i32 to index
        %get3A_573 = arith.constant 16 : index
        %get3A_574 = tpu.vector_load %arg12[%get3A_572, %get3A_573] {strides = array<i32>} : memref<128x128xf32, #tpu.memory_space<vmem>>, vector<16xf32>,
        %mul3A_575 = arith.mulf %get3A_571, %get3A_574 : vector<16xf32>
        %add3A_576 = arith.addf %mul3A_568, %mul3A_575 : vector<16xf32>
        %get3A_577 = arith.index_cast %add3A_561 : i32 to index
        %get3A_578 = arith.constant 32 : index
        %get3A_579 = tpu.vector_load %arg11[%get3A_577, %get3A_578] {strides = array<i32>} : memref<128x128xf32, #tpu.memory_space<vmem>>, vector<16xf32>,
        %get3A_580 = arith.index_cast %add3A_561 : i32 to index
        %get3A_581 = arith.constant 32 : index
        %get3A_582 = tpu.vector_load %arg12[%get3A_580, %get3A_581] {strides = array<i32>} : memref<128x128xf32, #tpu.memory_space<vmem>>, vector<16xf32>,
        %mul3A_583 = arith.mulf %get3A_579, %get3A_582 : vector<16xf32>
        %add3A_584 = arith.addf %add3A_576, %mul3A_583 : vector<16xf32>
        %get3A_585 = arith.index_cast %add3A_561 : i32 to index
        %get3A_586 = arith.constant 48 : index
        %get3A_587 = tpu.vector_load %arg11[%get3A_585, %get3A_586] {strides = array<i32>} : memref<128x128xf32, #tpu.memory_space<vmem>>, vector<16xf32>,
        %get3A_588 = arith.index_cast %add3A_561 : i32 to index
        %get3A_589 = arith.constant 48 : index
        %get3A_590 = tpu.vector_load %arg12[%get3A_588, %get3A_589] {strides = array<i32>} : memref<128x128xf32, #tpu.memory_space<vmem>>, vector<16xf32>,
        %mul3A_591 = arith.mulf %get3A_587, %get3A_590 : vector<16xf32>
        %add3A_592 = arith.addf %add3A_584, %mul3A_591 : vector<16xf32>
        %cumsum3A_593 = arith.constant true
        %cumsum3A_594 = vector.broadcast %cumsum3A_593 : i1 to vector<16xi1>
        %cumsum3A_595 = tpu.scan <sum>, %add3A_592 masked %cumsum3A_594 : vector<16xf32>, vector<16xi1> -> vector<16xf32>
        %swap3A_596 = arith.constant 9 : i32
        %swap3A_597 = arith.index_cast %swap3A_596 : i32 to index
        %swap3A_598 = arith.constant 0 : index
        %swap3A_599 = tpu.vector_load %arg16[%swap3A_597, %swap3A_598] {strides = array<i32>} : memref<16x16xf32, #tpu.memory_space<vmem>>, vector<16xf32>,
        tpu.vector_store %arg16[%swap3A_597, %swap3A_598], %cumsum3A_595 {strides = array<i32>} : memref<16x16xf32, #tpu.memory_space<vmem>>, vector<16xf32>,
        %add3A_600 = arith.constant 10 : i32
        %add3A_601 = arith.addi %mul3A_202, %add3A_600 : i32
        %get3A_602 = arith.index_cast %add3A_601 : i32 to index
        %get3A_603 = arith.constant 0 : index
        %get3A_604 = tpu.vector_load %arg11[%get3A_602, %get3A_603] {strides = array<i32>} : memref<128x128xf32, #tpu.memory_space<vmem>>, vector<16xf32>,
        %get3A_605 = arith.index_cast %add3A_601 : i32 to index
        %get3A_606 = arith.constant 0 : index
        %get3A_607 = tpu.vector_load %arg12[%get3A_605, %get3A_606] {strides = array<i32>} : memref<128x128xf32, #tpu.memory_space<vmem>>, vector<16xf32>,
        %mul3A_608 = arith.mulf %get3A_604, %get3A_607 : vector<16xf32>
        %get3A_609 = arith.index_cast %add3A_601 : i32 to index
        %get3A_610 = arith.constant 16 : index
        %get3A_611 = tpu.vector_load %arg11[%get3A_609, %get3A_610] {strides = array<i32>} : memref<128x128xf32, #tpu.memory_space<vmem>>, vector<16xf32>,
        %get3A_612 = arith.index_cast %add3A_601 : i32 to index
        %get3A_613 = arith.constant 16 : index
        %get3A_614 = tpu.vector_load %arg12[%get3A_612, %get3A_613] {strides = array<i32>} : memref<128x128xf32, #tpu.memory_space<vmem>>, vector<16xf32>,
        %mul3A_615 = arith.mulf %get3A_611, %get3A_614 : vector<16xf32>
        %add3A_616 = arith.addf %mul3A_608, %mul3A_615 : vector<16xf32>
        %get3A_617 = arith.index_cast %add3A_601 : i32 to index
        %get3A_618 = arith.constant 32 : index
        %get3A_619 = tpu.vector_load %arg11[%get3A_617, %get3A_618] {strides = array<i32>} : memref<128x128xf32, #tpu.memory_space<vmem>>, vector<16xf32>,
        %get3A_620 = arith.index_cast %add3A_601 : i32 to index
        %get3A_621 = arith.constant 32 : index
        %get3A_622 = tpu.vector_load %arg12[%get3A_620, %get3A_621] {strides = array<i32>} : memref<128x128xf32, #tpu.memory_space<vmem>>, vector<16xf32>,
        %mul3A_623 = arith.mulf %get3A_619, %get3A_622 : vector<16xf32>
        %add3A_624 = arith.addf %add3A_616, %mul3A_623 : vector<16xf32>
        %get3A_625 = arith.index_cast %add3A_601 : i32 to index
        %get3A_626 = arith.constant 48 : index
        %get3A_627 = tpu.vector_load %arg11[%get3A_625, %get3A_626] {strides = array<i32>} : memref<128x128xf32, #tpu.memory_space<vmem>>, vector<16xf32>,
        %get3A_628 = arith.index_cast %add3A_601 : i32 to index
        %get3A_629 = arith.constant 48 : index
        %get3A_630 = tpu.vector_load %arg12[%get3A_628, %get3A_629] {strides = array<i32>} : memref<128x128xf32, #tpu.memory_space<vmem>>, vector<16xf32>,
        %mul3A_631 = arith.mulf %get3A_627, %get3A_630 : vector<16xf32>
        %add3A_632 = arith.addf %add3A_624, %mul3A_631 : vector<16xf32>
        %cumsum3A_633 = arith.constant true
        %cumsum3A_634 = vector.broadcast %cumsum3A_633 : i1 to vector<16xi1>
        %cumsum3A_635 = tpu.scan <sum>, %add3A_632 masked %cumsum3A_634 : vector<16xf32>, vector<16xi1> -> vector<16xf32>
        %swap3A_636 = arith.constant 10 : i32
        %swap3A_637 = arith.index_cast %swap3A_636 : i32 to index
        %swap3A_638 = arith.constant 0 : index
        %swap3A_639 = tpu.vector_load %arg16[%swap3A_637, %swap3A_638] {strides = array<i32>} : memref<16x16xf32, #tpu.memory_space<vmem>>, vector<16xf32>,
        tpu.vector_store %arg16[%swap3A_637, %swap3A_638], %cumsum3A_635 {strides = array<i32>} : memref<16x16xf32, #tpu.memory_space<vmem>>, vector<16xf32>,
        %add3A_640 = arith.constant 11 : i32
        %add3A_641 = arith.addi %mul3A_202, %add3A_640 : i32
        %get3A_642 = arith.index_cast %add3A_641 : i32 to index
        %get3A_643 = arith.constant 0 : index
        %get3A_644 = tpu.vector_load %arg11[%get3A_642, %get3A_643] {strides = array<i32>} : memref<128x128xf32, #tpu.memory_space<vmem>>, vector<16xf32>,
        %get3A_645 = arith.index_cast %add3A_641 : i32 to index
        %get3A_646 = arith.constant 0 : index
        %get3A_647 = tpu.vector_load %arg12[%get3A_645, %get3A_646] {strides = array<i32>} : memref<128x128xf32, #tpu.memory_space<vmem>>, vector<16xf32>,
        %mul3A_648 = arith.mulf %get3A_644, %get3A_647 : vector<16xf32>
        %get3A_649 = arith.index_cast %add3A_641 : i32 to index
        %get3A_650 = arith.constant 16 : index
        %get3A_651 = tpu.vector_load %arg11[%get3A_649, %get3A_650] {strides = array<i32>} : memref<128x128xf32, #tpu.memory_space<vmem>>, vector<16xf32>,
        %get3A_652 = arith.index_cast %add3A_641 : i32 to index
        %get3A_653 = arith.constant 16 : index
        %get3A_654 = tpu.vector_load %arg12[%get3A_652, %get3A_653] {strides = array<i32>} : memref<128x128xf32, #tpu.memory_space<vmem>>, vector<16xf32>,
        %mul3A_655 = arith.mulf %get3A_651, %get3A_654 : vector<16xf32>
        %add3A_656 = arith.addf %mul3A_648, %mul3A_655 : vector<16xf32>
        %get3A_657 = arith.index_cast %add3A_641 : i32 to index
        %get3A_658 = arith.constant 32 : index
        %get3A_659 = tpu.vector_load %arg11[%get3A_657, %get3A_658] {strides = array<i32>} : memref<128x128xf32, #tpu.memory_space<vmem>>, vector<16xf32>,
        %get3A_660 = arith.index_cast %add3A_641 : i32 to index
        %get3A_661 = arith.constant 32 : index
        %get3A_662 = tpu.vector_load %arg12[%get3A_660, %get3A_661] {strides = array<i32>} : memref<128x128xf32, #tpu.memory_space<vmem>>, vector<16xf32>,
        %mul3A_663 = arith.mulf %get3A_659, %get3A_662 : vector<16xf32>
        %add3A_664 = arith.addf %add3A_656, %mul3A_663 : vector<16xf32>
        %get3A_665 = arith.index_cast %add3A_641 : i32 to index
        %get3A_666 = arith.constant 48 : index
        %get3A_667 = tpu.vector_load %arg11[%get3A_665, %get3A_666] {strides = array<i32>} : memref<128x128xf32, #tpu.memory_space<vmem>>, vector<16xf32>,
        %get3A_668 = arith.index_cast %add3A_641 : i32 to index
        %get3A_669 = arith.constant 48 : index
        %get3A_670 = tpu.vector_load %arg12[%get3A_668, %get3A_669] {strides = array<i32>} : memref<128x128xf32, #tpu.memory_space<vmem>>, vector<16xf32>,
        %mul3A_671 = arith.mulf %get3A_667, %get3A_670 : vector<16xf32>
        %add3A_672 = arith.addf %add3A_664, %mul3A_671 : vector<16xf32>
        %cumsum3A_673 = arith.constant true
        %cumsum3A_674 = vector.broadcast %cumsum3A_673 : i1 to vector<16xi1>
        %cumsum3A_675 = tpu.scan <sum>, %add3A_672 masked %cumsum3A_674 : vector<16xf32>, vector<16xi1> -> vector<16xf32>
        %swap3A_676 = arith.constant 11 : i32
        %swap3A_677 = arith.index_cast %swap3A_676 : i32 to index
        %swap3A_678 = arith.constant 0 : index
        %swap3A_679 = tpu.vector_load %arg16[%swap3A_677, %swap3A_678] {strides = array<i32>} : memref<16x16xf32, #tpu.memory_space<vmem>>, vector<16xf32>,
        tpu.vector_store %arg16[%swap3A_677, %swap3A_678], %cumsum3A_675 {strides = array<i32>} : memref<16x16xf32, #tpu.memory_space<vmem>>, vector<16xf32>,
        %add3A_680 = arith.constant 12 : i32
        %add3A_681 = arith.addi %mul3A_202, %add3A_680 : i32
        %get3A_682 = arith.index_cast %add3A_681 : i32 to index
        %get3A_683 = arith.constant 0 : index
        %get3A_684 = tpu.vector_load %arg11[%get3A_682, %get3A_683] {strides = array<i32>} : memref<128x128xf32, #tpu.memory_space<vmem>>, vector<16xf32>,
        %get3A_685 = arith.index_cast %add3A_681 : i32 to index
        %get3A_686 = arith.constant 0 : index
        %get3A_687 = tpu.vector_load %arg12[%get3A_685, %get3A_686] {strides = array<i32>} : memref<128x128xf32, #tpu.memory_space<vmem>>, vector<16xf32>,
        %mul3A_688 = arith.mulf %get3A_684, %get3A_687 : vector<16xf32>
        %get3A_689 = arith.index_cast %add3A_681 : i32 to index
        %get3A_690 = arith.constant 16 : index
        %get3A_691 = tpu.vector_load %arg11[%get3A_689, %get3A_690] {strides = array<i32>} : memref<128x128xf32, #tpu.memory_space<vmem>>, vector<16xf32>,
        %get3A_692 = arith.index_cast %add3A_681 : i32 to index
        %get3A_693 = arith.constant 16 : index
        %get3A_694 = tpu.vector_load %arg12[%get3A_692, %get3A_693] {strides = array<i32>} : memref<128x128xf32, #tpu.memory_space<vmem>>, vector<16xf32>,
        %mul3A_695 = arith.mulf %get3A_691, %get3A_694 : vector<16xf32>
        %add3A_696 = arith.addf %mul3A_688, %mul3A_695 : vector<16xf32>
        %get3A_697 = arith.index_cast %add3A_681 : i32 to index
        %get3A_698 = arith.constant 32 : index
        %get3A_699 = tpu.vector_load %arg11[%get3A_697, %get3A_698] {strides = array<i32>} : memref<128x128xf32, #tpu.memory_space<vmem>>, vector<16xf32>,
        %get3A_700 = arith.index_cast %add3A_681 : i32 to index
        %get3A_701 = arith.constant 32 : index
        %get3A_702 = tpu.vector_load %arg12[%get3A_700, %get3A_701] {strides = array<i32>} : memref<128x128xf32, #tpu.memory_space<vmem>>, vector<16xf32>,
        %mul3A_703 = arith.mulf %get3A_699, %get3A_702 : vector<16xf32>
        %add3A_704 = arith.addf %add3A_696, %mul3A_703 : vector<16xf32>
        %get3A_705 = arith.index_cast %add3A_681 : i32 to index
        %get3A_706 = arith.constant 48 : index
        %get3A_707 = tpu.vector_load %arg11[%get3A_705, %get3A_706] {strides = array<i32>} : memref<128x128xf32, #tpu.memory_space<vmem>>, vector<16xf32>,
        %get3A_708 = arith.index_cast %add3A_681 : i32 to index
        %get3A_709 = arith.constant 48 : index
        %get3A_710 = tpu.vector_load %arg12[%get3A_708, %get3A_709] {strides = array<i32>} : memref<128x128xf32, #tpu.memory_space<vmem>>, vector<16xf32>,
        %mul3A_711 = arith.mulf %get3A_707, %get3A_710 : vector<16xf32>
        %add3A_712 = arith.addf %add3A_704, %mul3A_711 : vector<16xf32>
        %cumsum3A_713 = arith.constant true
        %cumsum3A_714 = vector.broadcast %cumsum3A_713 : i1 to vector<16xi1>
        %cumsum3A_715 = tpu.scan <sum>, %add3A_712 masked %cumsum3A_714 : vector<16xf32>, vector<16xi1> -> vector<16xf32>
        %swap3A_716 = arith.constant 12 : i32
        %swap3A_717 = arith.index_cast %swap3A_716 : i32 to index
        %swap3A_718 = arith.constant 0 : index
        %swap3A_719 = tpu.vector_load %arg16[%swap3A_717, %swap3A_718] {strides = array<i32>} : memref<16x16xf32, #tpu.memory_space<vmem>>, vector<16xf32>,
        tpu.vector_store %arg16[%swap3A_717, %swap3A_718], %cumsum3A_715 {strides = array<i32>} : memref<16x16xf32, #tpu.memory_space<vmem>>, vector<16xf32>,
        %add3A_720 = arith.constant 13 : i32
        %add3A_721 = arith.addi %mul3A_202, %add3A_720 : i32
        %get3A_722 = arith.index_cast %add3A_721 : i32 to index
        %get3A_723 = arith.constant 0 : index
        %get3A_724 = tpu.vector_load %arg11[%get3A_722, %get3A_723] {strides = array<i32>} : memref<128x128xf32, #tpu.memory_space<vmem>>, vector<16xf32>,
        %get3A_725 = arith.index_cast %add3A_721 : i32 to index
        %get3A_726 = arith.constant 0 : index
        %get3A_727 = tpu.vector_load %arg12[%get3A_725, %get3A_726] {strides = array<i32>} : memref<128x128xf32, #tpu.memory_space<vmem>>, vector<16xf32>,
        %mul3A_728 = arith.mulf %get3A_724, %get3A_727 : vector<16xf32>
        %get3A_729 = arith.index_cast %add3A_721 : i32 to index
        %get3A_730 = arith.constant 16 : index
        %get3A_731 = tpu.vector_load %arg11[%get3A_729, %get3A_730] {strides = array<i32>} : memref<128x128xf32, #tpu.memory_space<vmem>>, vector<16xf32>,
        %get3A_732 = arith.index_cast %add3A_721 : i32 to index
        %get3A_733 = arith.constant 16 : index
        %get3A_734 = tpu.vector_load %arg12[%get3A_732, %get3A_733] {strides = array<i32>} : memref<128x128xf32, #tpu.memory_space<vmem>>, vector<16xf32>,
        %mul3A_735 = arith.mulf %get3A_731, %get3A_734 : vector<16xf32>
        %add3A_736 = arith.addf %mul3A_728, %mul3A_735 : vector<16xf32>
        %get3A_737 = arith.index_cast %add3A_721 : i32 to index
        %get3A_738 = arith.constant 32 : index
        %get3A_739 = tpu.vector_load %arg11[%get3A_737, %get3A_738] {strides = array<i32>} : memref<128x128xf32, #tpu.memory_space<vmem>>, vector<16xf32>,
        %get3A_740 = arith.index_cast %add3A_721 : i32 to index
        %get3A_741 = arith.constant 32 : index
        %get3A_742 = tpu.vector_load %arg12[%get3A_740, %get3A_741] {strides = array<i32>} : memref<128x128xf32, #tpu.memory_space<vmem>>, vector<16xf32>,
        %mul3A_743 = arith.mulf %get3A_739, %get3A_742 : vector<16xf32>
        %add3A_744 = arith.addf %add3A_736, %mul3A_743 : vector<16xf32>
        %get3A_745 = arith.index_cast %add3A_721 : i32 to index
        %get3A_746 = arith.constant 48 : index
        %get3A_747 = tpu.vector_load %arg11[%get3A_745, %get3A_746] {strides = array<i32>} : memref<128x128xf32, #tpu.memory_space<vmem>>, vector<16xf32>,
        %get3A_748 = arith.index_cast %add3A_721 : i32 to index
        %get3A_749 = arith.constant 48 : index
        %get3A_750 = tpu.vector_load %arg12[%get3A_748, %get3A_749] {strides = array<i32>} : memref<128x128xf32, #tpu.memory_space<vmem>>, vector<16xf32>,
        %mul3A_751 = arith.mulf %get3A_747, %get3A_750 : vector<16xf32>
        %add3A_752 = arith.addf %add3A_744, %mul3A_751 : vector<16xf32>
        %cumsum3A_753 = arith.constant true
        %cumsum3A_754 = vector.broadcast %cumsum3A_753 : i1 to vector<16xi1>
        %cumsum3A_755 = tpu.scan <sum>, %add3A_752 masked %cumsum3A_754 : vector<16xf32>, vector<16xi1> -> vector<16xf32>
        %swap3A_756 = arith.constant 13 : i32
        %swap3A_757 = arith.index_cast %swap3A_756 : i32 to index
        %swap3A_758 = arith.constant 0 : index
        %swap3A_759 = tpu.vector_load %arg16[%swap3A_757, %swap3A_758] {strides = array<i32>} : memref<16x16xf32, #tpu.memory_space<vmem>>, vector<16xf32>,
        tpu.vector_store %arg16[%swap3A_757, %swap3A_758], %cumsum3A_755 {strides = array<i32>} : memref<16x16xf32, #tpu.memory_space<vmem>>, vector<16xf32>,
        %add3A_760 = arith.constant 14 : i32
        %add3A_761 = arith.addi %mul3A_202, %add3A_760 : i32
        %get3A_762 = arith.index_cast %add3A_761 : i32 to index
        %get3A_763 = arith.constant 0 : index
        %get3A_764 = tpu.vector_load %arg11[%get3A_762, %get3A_763] {strides = array<i32>} : memref<128x128xf32, #tpu.memory_space<vmem>>, vector<16xf32>,
        %get3A_765 = arith.index_cast %add3A_761 : i32 to index
        %get3A_766 = arith.constant 0 : index
        %get3A_767 = tpu.vector_load %arg12[%get3A_765, %get3A_766] {strides = array<i32>} : memref<128x128xf32, #tpu.memory_space<vmem>>, vector<16xf32>,
        %mul3A_768 = arith.mulf %get3A_764, %get3A_767 : vector<16xf32>
        %get3A_769 = arith.index_cast %add3A_761 : i32 to index
        %get3A_770 = arith.constant 16 : index
        %get3A_771 = tpu.vector_load %arg11[%get3A_769, %get3A_770] {strides = array<i32>} : memref<128x128xf32, #tpu.memory_space<vmem>>, vector<16xf32>,
        %get3A_772 = arith.index_cast %add3A_761 : i32 to index
        %get3A_773 = arith.constant 16 : index
        %get3A_774 = tpu.vector_load %arg12[%get3A_772, %get3A_773] {strides = array<i32>} : memref<128x128xf32, #tpu.memory_space<vmem>>, vector<16xf32>,
        %mul3A_775 = arith.mulf %get3A_771, %get3A_774 : vector<16xf32>
        %add3A_776 = arith.addf %mul3A_768, %mul3A_775 : vector<16xf32>
        %get3A_777 = arith.index_cast %add3A_761 : i32 to index
        %get3A_778 = arith.constant 32 : index
        %get3A_779 = tpu.vector_load %arg11[%get3A_777, %get3A_778] {strides = array<i32>} : memref<128x128xf32, #tpu.memory_space<vmem>>, vector<16xf32>,
        %get3A_780 = arith.index_cast %add3A_761 : i32 to index
        %get3A_781 = arith.constant 32 : index
        %get3A_782 = tpu.vector_load %arg12[%get3A_780, %get3A_781] {strides = array<i32>} : memref<128x128xf32, #tpu.memory_space<vmem>>, vector<16xf32>,
        %mul3A_783 = arith.mulf %get3A_779, %get3A_782 : vector<16xf32>
        %add3A_784 = arith.addf %add3A_776, %mul3A_783 : vector<16xf32>
        %get3A_785 = arith.index_cast %add3A_761 : i32 to index
        %get3A_786 = arith.constant 48 : index
        %get3A_787 = tpu.vector_load %arg11[%get3A_785, %get3A_786] {strides = array<i32>} : memref<128x128xf32, #tpu.memory_space<vmem>>, vector<16xf32>,
        %get3A_788 = arith.index_cast %add3A_761 : i32 to index
        %get3A_789 = arith.constant 48 : index
        %get3A_790 = tpu.vector_load %arg12[%get3A_788, %get3A_789] {strides = array<i32>} : memref<128x128xf32, #tpu.memory_space<vmem>>, vector<16xf32>,
        %mul3A_791 = arith.mulf %get3A_787, %get3A_790 : vector<16xf32>
        %add3A_792 = arith.addf %add3A_784, %mul3A_791 : vector<16xf32>
        %cumsum3A_793 = arith.constant true
        %cumsum3A_794 = vector.broadcast %cumsum3A_793 : i1 to vector<16xi1>
        %cumsum3A_795 = tpu.scan <sum>, %add3A_792 masked %cumsum3A_794 : vector<16xf32>, vector<16xi1> -> vector<16xf32>
        %swap3A_796 = arith.constant 14 : i32
        %swap3A_797 = arith.index_cast %swap3A_796 : i32 to index
        %swap3A_798 = arith.constant 0 : index
        %swap3A_799 = tpu.vector_load %arg16[%swap3A_797, %swap3A_798] {strides = array<i32>} : memref<16x16xf32, #tpu.memory_space<vmem>>, vector<16xf32>,
        tpu.vector_store %arg16[%swap3A_797, %swap3A_798], %cumsum3A_795 {strides = array<i32>} : memref<16x16xf32, #tpu.memory_space<vmem>>, vector<16xf32>,
        %add3A_800 = arith.constant 15 : i32
        %add3A_801 = arith.addi %mul3A_202, %add3A_800 : i32
        %get3A_802 = arith.index_cast %add3A_801 : i32 to index
        %get3A_803 = arith.constant 0 : index
        %get3A_804 = tpu.vector_load %arg11[%get3A_802, %get3A_803] {strides = array<i32>} : memref<128x128xf32, #tpu.memory_space<vmem>>, vector<16xf32>,
        %get3A_805 = arith.index_cast %add3A_801 : i32 to index
        %get3A_806 = arith.constant 0 : index
        %get3A_807 = tpu.vector_load %arg12[%get3A_805, %get3A_806] {strides = array<i32>} : memref<128x128xf32, #tpu.memory_space<vmem>>, vector<16xf32>,
        %mul3A_808 = arith.mulf %get3A_804, %get3A_807 : vector<16xf32>
        %get3A_809 = arith.index_cast %add3A_801 : i32 to index
        %get3A_810 = arith.constant 16 : index
        %get3A_811 = tpu.vector_load %arg11[%get3A_809, %get3A_810] {strides = array<i32>} : memref<128x128xf32, #tpu.memory_space<vmem>>, vector<16xf32>,
        %get3A_812 = arith.index_cast %add3A_801 : i32 to index
        %get3A_813 = arith.constant 16 : index
        %get3A_814 = tpu.vector_load %arg12[%get3A_812, %get3A_813] {strides = array<i32>} : memref<128x128xf32, #tpu.memory_space<vmem>>, vector<16xf32>,
        %mul3A_815 = arith.mulf %get3A_811, %get3A_814 : vector<16xf32>
        %add3A_816 = arith.addf %mul3A_808, %mul3A_815 : vector<16xf32>
        %get3A_817 = arith.index_cast %add3A_801 : i32 to index
        %get3A_818 = arith.constant 32 : index
        %get3A_819 = tpu.vector_load %arg11[%get3A_817, %get3A_818] {strides = array<i32>} : memref<128x128xf32, #tpu.memory_space<vmem>>, vector<16xf32>,
        %get3A_820 = arith.index_cast %add3A_801 : i32 to index
        %get3A_821 = arith.constant 32 : index
        %get3A_822 = tpu.vector_load %arg12[%get3A_820, %get3A_821] {strides = array<i32>} : memref<128x128xf32, #tpu.memory_space<vmem>>, vector<16xf32>,
        %mul3A_823 = arith.mulf %get3A_819, %get3A_822 : vector<16xf32>
        %add3A_824 = arith.addf %add3A_816, %mul3A_823 : vector<16xf32>
        %get3A_825 = arith.index_cast %add3A_801 : i32 to index
        %get3A_826 = arith.constant 48 : index
        %get3A_827 = tpu.vector_load %arg11[%get3A_825, %get3A_826] {strides = array<i32>} : memref<128x128xf32, #tpu.memory_space<vmem>>, vector<16xf32>,
        %get3A_828 = arith.index_cast %add3A_801 : i32 to index
        %get3A_829 = arith.constant 48 : index
        %get3A_830 = tpu.vector_load %arg12[%get3A_828, %get3A_829] {strides = array<i32>} : memref<128x128xf32, #tpu.memory_space<vmem>>, vector<16xf32>,
        %mul3A_831 = arith.mulf %get3A_827, %get3A_830 : vector<16xf32>
        %add3A_832 = arith.addf %add3A_824, %mul3A_831 : vector<16xf32>
        %cumsum3A_833 = arith.constant true
        %cumsum3A_834 = vector.broadcast %cumsum3A_833 : i1 to vector<16xi1>
        %cumsum3A_835 = tpu.scan <sum>, %add3A_832 masked %cumsum3A_834 : vector<16xf32>, vector<16xi1> -> vector<16xf32>
        %swap3A_836 = arith.constant 15 : i32
        %swap3A_837 = arith.index_cast %swap3A_836 : i32 to index
        %swap3A_838 = arith.constant 0 : index
        %swap3A_839 = tpu.vector_load %arg16[%swap3A_837, %swap3A_838] {strides = array<i32>} : memref<16x16xf32, #tpu.memory_space<vmem>>, vector<16xf32>,
        tpu.vector_store %arg16[%swap3A_837, %swap3A_838], %cumsum3A_835 {strides = array<i32>} : memref<16x16xf32, #tpu.memory_space<vmem>>, vector<16xf32>,
        %gather3A = tpu.vector_load_idx %arg16[%iota3A, %add3A_157] : memref<16x16xf32, #tpu.memory_space<vmem>>[vector<16xi32>, vector<16xi32>], vector<16xf32>,
        %mul3A_840 = arith.constant 128 : i32
        %mul3A_841 = arith.muli %add3A_166, %mul3A_840 : i32
        %add3A_842 = arith.addi %mul3A_841, %mul3A_202 : i32
        %get3A_843 = arith.index_cast %add3A_842 : i32 to index
        %get3A_844 = tpu.vector_load %arg13[%get3A_843] {strides = array<i32>} : memref<512xf32, #tpu.memory_space<vmem>>, vector<16xf32>,
        %add3A_845 = arith.addf %gather3A, %get3A_844 : vector<16xf32>
        %get3A_846 = arith.index_cast %add3A_842 : i32 to index
        %get3A_847 = tpu.vector_load %arg14[%get3A_846] {strides = array<i32>} : memref<512xf32, #tpu.memory_space<vmem>>, vector<16xf32>,
        %add3A_848 = arith.addf %add3A_845, %get3A_847 : vector<16xf32>
        %add3A_849 = arith.constant 3.500000e+00 : f32
        %add3A_850 = vector.broadcast %add3A_849 : f32 to vector<16xf32>
        %add3A_851 = arith.addf %add3A_848, %add3A_850 : vector<16xf32>
        %swap3A_852 = arith.index_cast %add3A_842 : i32 to index
        %swap3A_853 = tpu.vector_load %arg15[%swap3A_852] {strides = array<i32>} : memref<512xf32, #tpu.memory_space<vmem>>, vector<16xf32>,
        tpu.vector_store %arg15[%swap3A_852], %add3A_851 {strides = array<i32>} : memref<512xf32, #tpu.memory_space<vmem>>, vector<16xf32>,
      }
      %scan3A_195 = arith.constant 8 : i32
    }
    %scan3A_161 = arith.constant 4 : i32
    "tpu.region"() ({
      %run_scoped3A_162 = tpu.sem_alloc : memref<!tpu.dma_semaphore, #tpu.memory_space<semaphore_mem>>
      %dma_start3A_163 = tpu.memref_slice %arg8[%mul3A_2] : memref<16384xf32, #tpu.memory_space<hbm>> -> memref<512xf32, #tpu.memory_space<hbm>>
      %dma_start3A_164 = tpu.memref_slice %arg8[%mul3A_2] : memref<16384xf32, #tpu.memory_space<hbm>> -> memref<512xf32, #tpu.memory_space<hbm>>
      tpu.enqueue_dma source(%arg15 : memref<512xf32, #tpu.memory_space<vmem>>) target(%dma_start3A_164 : memref<512xf32, #tpu.memory_space<hbm>>) target_semaphore(%run_scoped3A_162 : memref<!tpu.dma_semaphore, #tpu.memory_space<semaphore_mem>>)
      %dma_wait3A_165 = tpu.memref_slice %arg8[%mul3A_2] : memref<16384xf32, #tpu.memory_space<hbm>> -> memref<512xf32, #tpu.memory_space<hbm>>
      %dma_wait3A_166 = tpu.memref_slice %arg8[%mul3A_2] : memref<16384xf32, #tpu.memory_space<hbm>> -> memref<512xf32, #tpu.memory_space<hbm>>
      tpu.wait_dma2 semaphore(%run_scoped3A_162 : memref<!tpu.dma_semaphore, #tpu.memory_space<semaphore_mem>>) src(%arg15 : memref<512xf32, #tpu.memory_space<vmem>>) dst(%dma_wait3A_166 : memref<512xf32, #tpu.memory_space<hbm>>)
      tpu.yield
    }) : () -> ()
    return
  }
}

</mosaic_0001>

<sc_bundles>
// kernel: kernel.3.cloned.1.call-start
scs
__scs_entry_jumppad:
0x0: {  	(pc) =	sbr.rel $0x88, $3  }
0x1: {  	(tag) =	ssettag $0x0;
	lr =	simm.s32 $0x1  }
0x2: {  	[smem:$0x3F9B] =	sst lr;
	_ =	strace $0xD0000000  }
0x3: {  	_ = 	snop  }
0x4: {  	_ = 	snop  }
0x5: {  	_ = 	snop  }
0x6: {  	_ = 	snop  }
0x7: {  	_ = 	snop  }
__scs_overlays_trampoline_lowered:
0x8: {  	[smem:$0x3FAA] =	sst s0  }
0x9: {  	[smem:$0x3FAB] =	sst s1  }
0xa: {  	[smem:$0x3FAC] =	sst s2  }
0xb: {  	[smem:$0x3FAD] =	sst s3  }
0xc: {  	[smem:$0x3FAE] =	sst s4  }
0xd: {  	[smem:$0x3FAF] =	sst s5  }
0xe: {  	[smem:$0x3FB0] =	sst s6  }
0xf: {  	[smem:$0x3FB1] =	sst s7  }
0x10: {  	[smem:$0x3FB2] =	sst s8  }
0x11: {  	[smem:$0x3FB3] =	sst s9;
	s0 =	simm.s32 @!p0 $0x0  }
0x12: {  	s1 =	sld [smem:$0x3F99];
	s0 =	simm.s32 @p0 $0x1  }
0x13: {  	[smem:$0x3FB4] =	sst s0;
	s0 =	simm.s32 @!p1 $0x0  }
0x14: {  	s2 =	sld [smem:$0x3F98];
	s0 =	simm.s32 @p1 $0x1  }
0x15: {  	[smem:$0x3FB5] =	sst s0;
	s0 =	simm.s32 @!p2 $0x0  }
0x16: {  	s3 =	sld [smem:$0x3FDB];
	s0 =	simm.s32 @p2 $0x1  }
0x17: {  	s4 =	simm.s32 $0x1BF5;
	[smem:$0x3FB7] =	sst s0  }
0x18: {  	s0 =	sld [smem:$0x3F9A];
	_ =	swait.ge [sflag:s4], $0x0  }
0x19: {  	s7 =	sld [smem:$0x3F9B]  }
0x1a: {  	s8 =	sadd.s32 $0xFFFFE003, lr  }
0x1b: {  	s9 =	sadd.s32 $0xFFFFFEF7, lr;
	s5 =	simm.s32 $0xFFFFFFFF;
	p2 =	slt.u32 s8, $0xFFFFF086  }
0x1c: {  	p1 =	slt.u32 s9, $0xF7A;
	s5 =	simm.s32 @!p2 $0x0  }
0x1d: {  	s5 =	simm.s32 @p1 $0x1;
	p0 =	seq.s32 s7, s2  }
0x1e: {  	s7 =	smul.u32 @!p0 $0xF7A, s2;
	p2 =	seq.s32 @!p0 s5, $0x0  }
0x1f: {  	s9 =	smul.u32 $0xF7A, s1;
	s8 =	simm.s32 @!p0 $0x1BF5;
	p2 =	por !p2, p0  }
0x20: {  	[sflag:s8] =	ssyncset.s32 @!p0 $0xFFFFF086;
	s6 =	sadd.s32 @!p0 s3, s7;
	s7 =	simm.s32 @!p0 $0x108  }
0x21: {  	s3 =	sadd.s32 s3, s9;
	s6 =	sadd.s32 @!p0 $0x88, s6;
	s7 =	simm.s32 @p2 $0x1082  }
0x22: {  	[simem:s7], [sflag:s8] =	dma.local @!p0 [hbm:s6], $0xF7A  }
0x23: {  	s9 =	sor.u32 $0xD0000000, s2;
	s6 =	simm.s32 $0x108;
	_ =	swait.ge @!p0 [sflag:s8], $0x0  }
0x24: {  	s3 =	sadd.s32 $0x88, s3;
	s6 =	simm.s32 @!p1 $0x1082;
	[sflag:s4] =	ssyncset.s32 $0xFFFFF086  }
0x25: {  	[simem:s6], [sflag:s4] =	dma.local [hbm:s3], $0xF7A  }
0x26: {  	[smem:$0x3F9B] =	sst s1;
	(tag) =	ssettag s2;
	_ =	strace s9  }
0x27: {  	s1 =	sld [smem:$0x3FAB]  }
0x28: {  	s2 =	sld [smem:$0x3FAC]  }
0x29: {  	s4 =	sld [smem:$0x3FAE]  }
0x2a: {  	p0 =	seq.s32 s5, $0x0;
	s5 =	sld [smem:$0x3FAF]  }
0x2b: {  	s6 =	sld [smem:$0x3FB0]  }
0x2c: {  	s7 =	sld [smem:$0x3FB1]  }
0x2d: {  	s3 =	simm.s32 $0x108;
	s8 =	sld [smem:$0x3FB2]  }
0x2e: {  	s3 =	simm.s32 @!p0 $0x1082;
	s9 =	sld [smem:$0x3FB3]  }
0x2f: {  	lr =	sadd.s32 s0, s3;
	s0 =	sld [smem:$0x3FAA]  }
0x30: {  	s3 =	sld [smem:$0x3FAD]  }
0x31: {  	[smem:$0x3FB6] =	sst s10  }
0x32: {  	s10 =	sld [smem:$0x3FB4];
	_ =	sdelay $0x3  }
0x33: {  	p0 =	seq.s32 s10, $0x1;
	s10 =	sld [smem:$0x3FB6];
	_ =	sdelay $0x3  }
0x34: {  	[smem:$0x3FB6] =	sst s10  }
0x35: {  	s10 =	sld [smem:$0x3FB5];
	_ =	sdelay $0x3  }
0x36: {  	p1 =	seq.s32 s10, $0x1;
	s10 =	sld [smem:$0x3FB6];
	_ =	sdelay $0x3  }
0x37: {  	[smem:$0x3FB6] =	sst s10  }
0x38: {  	s10 =	sld [smem:$0x3FB7]  }
0x39: {  	_ = 	snop;
	(pc) =	sbr.ind lr, $3  }
0x3a: {  	_ = 	snop  }
0x3b: {  	_ = 	snop  }
0x3c: {  	p2 =	seq.s32 s10, $0x1;
	s10 =	sld [smem:$0x3FB6]  }
0x3d: {  	_ =	shalt  }
0x3e: {  	_ =	shalt  }
0x3f: {  	_ =	shalt  }
0x40: {  	_ =	shalt  }
0x41: {  	_ =	shalt  }
0x42: {  	_ =	shalt  }
0x43: {  	_ =	shalt  }
0x44: {  	_ =	shalt  }
0x45: {  	_ =	shalt  }
0x46: {  	_ =	shalt  }
0x47: {  	_ =	shalt  }
0x48: {  	_ =	shalt  }
0x49: {  	_ =	shalt  }
0x4a: {  	_ =	shalt  }
0x4b: {  	_ =	shalt  }
0x4c: {  	_ =	shalt  }
0x4d: {  	_ =	shalt  }
0x4e: {  	_ =	shalt  }
0x4f: {  	_ =	shalt  }
0x50: {  	_ =	shalt  }
0x51: {  	_ =	shalt  }
0x52: {  	_ =	shalt  }
0x53: {  	_ =	shalt  }
0x54: {  	_ =	shalt  }
0x55: {  	_ =	shalt  }
0x56: {  	_ =	shalt  }
0x57: {  	_ =	shalt  }
0x58: {  	_ =	shalt  }
0x59: {  	_ =	shalt  }
0x5a: {  	_ =	shalt  }
0x5b: {  	_ =	shalt  }
0x5c: {  	_ =	shalt  }
0x5d: {  	_ =	shalt  }
0x5e: {  	_ =	shalt  }
0x5f: {  	_ =	shalt  }
0x60: {  	_ =	shalt  }
0x61: {  	_ =	shalt  }
0x62: {  	_ =	shalt  }
0x63: {  	_ =	shalt  }
0x64: {  	_ =	shalt  }
0x65: {  	_ =	shalt  }
0x66: {  	_ =	shalt  }
0x67: {  	_ =	shalt  }
0x68: {  	_ =	shalt  }
0x69: {  	_ =	shalt  }
0x6a: {  	_ =	shalt  }
0x6b: {  	_ =	shalt  }
0x6c: {  	_ =	shalt  }
0x6d: {  	_ =	shalt  }
0x6e: {  	_ =	shalt  }
0x6f: {  	_ =	shalt  }
0x70: {  	_ =	shalt  }
0x71: {  	_ =	shalt  }
0x72: {  	_ =	shalt  }
0x73: {  	_ =	shalt  }
0x74: {  	_ =	shalt  }
0x75: {  	_ =	shalt  }
0x76: {  	_ =	shalt  }
0x77: {  	_ =	shalt  }
0x78: {  	_ =	shalt  }
0x79: {  	_ =	shalt  }
0x7a: {  	_ =	shalt  }
0x7b: {  	_ =	shalt  }
0x7c: {  	_ =	shalt  }
0x7d: {  	_ =	shalt  }
0x7e: {  	_ =	shalt  }
0x7f: {  	_ =	shalt  }
0x80: {  	_ =	shalt  }
0x81: {  	_ =	shalt  }
0x82: {  	_ =	shalt  }
0x83: {  	_ =	shalt  }
0x84: {  	_ =	shalt  }
0x85: {  	_ =	shalt  }
0x86: {  	_ =	shalt  }
0x87: {  	_ =	shalt  }
.Lfunc_end0:
.L_simem_size_0:
called_computation_lowered:
.L_overlay_start_0:
0x88: {  	s2 =	sld [smem:$0x3FD9]  }
0x89: {  	s3 =	sld [smem:$0x3FFE];
	_ =	sdelay $0x1  }
0x8a: {  	s1 =	srdreg.scid  }
0x8b: {  	s0 =	sand.u32 $0x1, s1  }
0x8c: {  	s17 =	sshll.u32 s0, $0xA;
	s2 =	sadd.s32 s3, s2  }
0x8d: {  	s2 =	sadd.s32 s2, s17  }
0x8e: {  	[smem:$0x3FC2] =	sst s2  }
0x8f: {  	_ = 	snop  }
0x90: {  	s2 =	sld [smem:$0x3FC9]  }
0x91: {  	s18 =	sld [smem:$0x3FC8]  }
0x92: {  	s4 =	sld [smem:$0x3FD0];
	(tm) =	ssettm $0x1  }
0x93: {  	s5 =	sld [smem:$0x3FFB];
	_ =	sdelay $0x3  }
0x94: {  	_ =	strace s5  }
0x95: {  	s5 =	sld [smem:$0x3FFC];
	_ =	sdelay $0x3  }
0x96: {  	_ =	strace s5  }
0x97: {  	s5 =	sld [smem:$0x3FFD];
	_ =	sdelay $0x3  }
0x98: {  	_ =	strace s5  }
0x99: {  	_ =	strace $0x8FFFFFFF  }
0x9a: {  	s19 =	sld [smem:$0x3FDB];
	_ =	sdelay $0x1  }
0x9b: {  	s6 =	simm.s32 $_scs_section_size  }
0x9c: {  	s7 =	simm.s32 $_size__tile_overlayer_lowered;
	s8 =	simm.s32 $_tile_overlayer_lowered  }
0x9d: {  	s22 =	simm.s32 $0x1BFF;
	s21 =	sshll.u32 s8, $0x1;
	s5 =	sadd.s32 s6, s19  }
0x9e: {  	s9 =	simm.s32 $0x0;
	s20 =	sshll.u32 s7, $0x1;
	s7 =	sadd.s32 s21, s5  }
0x9f: {  	[timem:s9], [sflag:s22] =	dma.local [hbm:s7], s20  }
0xa0: {  	_ =	swait.ge [sflag:s22], s20  }
0xa1: {  	s6 =	ssub.s32 $0x0, s20;
	[sflag:s22] =	ssyncset.done $0x0  }
0xa2: {  	[sflag:s22] =	ssyncadd.s32 s6;
	_ =	sdelay $0x1  }
0xa3: {  	s23 =	simm.s32 $0x1B8B  }
0xa4: {  	_ =	swait.ge [sflag:s23], $0x1  }
0xa5: {  	[sflag:s23] =	ssyncset.done $0x0  }
0xa6: {  	s25 =	simm.s32 $0x1B8E;
	s24 =	sld [smem:$0x3FFE];
	[sflag:s23] =	ssyncadd.s32 $0xFFFFFFFF  }
0xa7: {  	s26 =	simm.s32 $execute0_lowered;
	[smem:$0x3FD2] =	sst s25  }
0xa8: {  	s7 =	sshll.u32 s26, $0x1;
	_ =	strace $0x80000046;
	[dreg:$0x1] =	wrdreg $0xFFFFFFFF  }
0xa9: {  	s28 =	simm.s32 $_size_execute0_lowered;
	s5 =	sadd.s32 s5, s7;
	[dreg:$0x0] =	wrdreg $0x0  }
0xaa: {  	s7 =	sshll.u32 s28, $0x1;
	[dreg:$0x2] =	wrdreg s5  }
0xab: {  	[dreg:$0x3] =	wrdreg s7  }
0xac: {  	[dreg:$0x4] =	wrdreg $0xC0  }
0xad: {  	_ =	task [dreg:s9], $0x5FFFF  }
0xae: {  	[dreg:$0x1] =	wrdreg $0xFFFFFFFF  }
0xaf: {  	[dreg:$0x0] =	wrdreg $0x60  }
0xb0: {  	[dreg:$0x2] =	wrdreg s24  }
0xb1: {  	[dreg:$0x3] =	wrdreg s2  }
0xb2: {  	[dreg:$0x4] =	wrdreg s18  }
0xb3: {  	[dreg:$0x5] =	wrdreg s4  }
0xb4: {  	[dreg:$0x6] =	wrdreg $0x9  }
0xb5: {  	_ =	task.clear_ibuf [dreg:s9], $0x7FFFF;
	_ =	strace $0x90000046  }
0xb6: {  	s29 =	simm.s32 $0x9;
	_ =	strace $0x80000048  }
0xb7: {  	_ =	swait.ge [sflag:s29], $0x1  }
0xb8: {  	[sflag:s29] =	ssyncadd.s32 $0xFFFFFFFF  }
0xb9: {  	_ =	strace $0x90000048  }
0xba: {  	_ =	sfence  }
0xbb: {  	s30 =	sld [smem:$0x0];
	_ =	sdelay $0x2  }
0xbc: {  	s31 =	sshll.u32 s1, $0xD;
	s1 =	sshrl.u32 s1, $0x2  }
0xbd: {  	s3 =	sand.u32 $0x4000, s31;
	s1 =	sadd.s32 s1, s30  }
0xbe: {  	s0 =	sor.u32 s3, s0;
	s1 =	sshll.u32 s1, $0x11  }
0xbf: {  	s0 =	sor.u32 s1, s0  }
0xc0: {  	s0 =	sadd.s32 $0x8F2B, s0  }
0xc1: {  	[sflag:s0] =	ssyncadd.remote.s32 $0x1  }
0xc2: {  	_ =	sfence.sel $0xFFFF  }
0xc3: {  	[dreg:$0x0] =	wrdreg $0xFFFFFFFF;
	(pc) =	sbr.abs _section_cstart, $3  }
0xc4: {  	[dreg:$0x1] =	wrdreg $0xFFFFFFFF  }
0xc5: {  	_ =	task.clear_ibuf [dreg:s9], $0x2FFFF;
	_ =	strace $0x9FFFFFFF  }
0xc6: {  	(tm) =	ssettm $0x7FFFFFFF  }
0xc7: {  	_ =	shalt  }
tec
execute0_lowered:
.L_overlay_start_1:
0x0: {  	(tag) =	ssettag $0x1  }
0x1: {  	s1 =	rddreg [dreg:$0x0]  }
0x2: {  	s0 =	rddreg [dreg:$0x1]  }
0x3: {  	s3 =	rddreg [dreg:$0x2]  }
0x4: {  	s7 =	rddreg [dreg:$0x3];
	s2 =	simm.s32 $0x0  }
0x5: {  	s5 =	srdreg.scid;
	s6 =	stileid.u32;
	s17 =	simm.s32 $0x3  }
0x6: {  	s19 =	simm.s32 $0x80;
	s20 =	simm.s32 $0x280;
	s21 =	simm.s32 $0x100  }
0x7: {  	s22 =	simm.s32 $0x300;
	s28 =	simm.s32 $0x1;
	s29 =	simm.s32 $0x8A00  }
0x8: {  	s31 =	simm.s32 $0x0;
	[smem:$0x7FF] =	sst s2;
	s4 =	sadd.s32 $0x10C8E00, s1  }
0x9: {  	s5 =	sand.u32 $0x1, s5;
	s6 =	sshll.u32 s6, $0x7;
	_ =	strace $0x80000047  }
0xa: {  	s8 =	ssub.s32 $0x2, s5;
	s9 =	sshll.u32 s5, $0x6;
	s5 =	sadd.s32 $0x186A00, s1  }
0xb: {  	s10 =	sshrl.u32 s8, $0x1;
	s9 =	sor.u32 s9, s6;
	s6 =	sadd.s32 $0x1A5400, s1  }
0xc: {  	s8 =	ssub.s32 s8, s10;
	s23 =	sor.u32 $0x10, s9;
	s11 =	sadd.s32 s0, s9  }
0xd: {  	s24 =	sadd.s32 s3, s9;
	s26 =	sor.u32 $0x20, s9;
	[dreg:$0x5] =	wrdreg s11  }
0xe: {  	s30 =	sor.u32 $0x30, s9;
	s15 =	sadd.s32 s7, s9;
	[dreg:$0x6] =	wrdreg s24  }
0xf: {  	s25 =	sadd.s32 s0, s23;
	s10 =	sadd.s32 s3, s23;
	s12 =	sadd.s32 s0, s26  }
0x10: {  	v0 =	vlaneseq.u32;
	s13 =	sadd.s32 s0, s30;
	s14 =	sadd.s32 s3, s30;
	[dreg:$0x7] =	wrdreg s25  }
0x11: {  	v0 =	vmul.u32 $0x80, v0;
	s16 =	smax.u32 s8, $0x1;
	s23 =	simm.s32 $0x180;
	[dreg:$0x8] =	wrdreg s10  }
0x12: {  	s24 =	simm.s32 $0x380;
	[dreg:$0x9] =	wrdreg s12;
	s12 =	sadd.s32 s3, s26  }
0x13: {  	v0 =	vor.u32 $0xF, v0;
	s25 =	simm.s32 $0x2;
	s3 =	simm.s32 $0x400;
	s26 =	simm.s32 $0x4400  }
.LBB2_1:
0x14: {  	s0 =	rddreg [dreg:$0x5]  }
0x15: {  	[tilespmem:s2], [sflag:$0x3] =	stream.linear.gather [hbm4b:s0+s2], $0x80, $0x38;
	[tilespmem:$0x9200] =	vst v63  }
0x16: {  	_ =	swait.ge [sflag:s17], $0x80  }
0x17: {  	[sflag:s17] =	ssyncset.done $0x0  }
0x18: {  	s7 =	simm.s32 $0x200;
	s8 =	rddreg [dreg:$0x6];
	[sflag:s17] =	ssyncadd.s32 $0xFFFFFF80  }
0x19: {  	[tilespmem:s7], [sflag:$0x3] =	stream.linear.gather [hbm4b:s8+s2], $0x80, $0x38;
	[tilespmem:$0x9200] =	vst v63  }
0x1a: {  	_ =	swait.ge [sflag:s17], $0x80  }
0x1b: {  	[sflag:s17] =	ssyncset.done $0x0  }
0x1c: {  	s9 =	rddreg [dreg:$0x7];
	[sflag:s17] =	ssyncadd.s32 $0xFFFFFF80  }
0x1d: {  	[tilespmem:s19], [sflag:$0x3] =	stream.linear.gather [hbm4b:s9+s2], $0x80, $0x38;
	[tilespmem:$0x9200] =	vst v63  }
0x1e: {  	_ =	swait.ge [sflag:s17], $0x80  }
0x1f: {  	[sflag:s17] =	ssyncset.done $0x0  }
0x20: {  	s10 =	rddreg [dreg:$0x8];
	[sflag:s17] =	ssyncadd.s32 $0xFFFFFF80  }
0x21: {  	[tilespmem:s20], [sflag:$0x3] =	stream.linear.gather [hbm4b:s10+s2], $0x80, $0x38;
	[tilespmem:$0x9200] =	vst v63  }
0x22: {  	_ =	swait.ge [sflag:s17], $0x80  }
0x23: {  	[sflag:s17] =	ssyncset.done $0x0  }
0x24: {  	s11 =	rddreg [dreg:$0x9];
	[sflag:s17] =	ssyncadd.s32 $0xFFFFFF80  }
0x25: {  	[tilespmem:s21], [sflag:$0x3] =	stream.linear.gather [hbm4b:s11+s2], $0x80, $0x38;
	[tilespmem:$0x9200] =	vst v63  }
0x26: {  	_ =	swait.ge [sflag:s17], $0x80  }
0x27: {  	[sflag:s17] =	ssyncset.done $0x0  }
0x28: {  	[sflag:s17] =	ssyncadd.s32 $0xFFFFFF80  }
0x29: {  	[tilespmem:s22], [sflag:$0x3] =	stream.linear.gather [hbm4b:s12+s2], $0x80, $0x38;
	[tilespmem:$0x9200] =	vst v63  }
0x2a: {  	_ =	swait.ge [sflag:s17], $0x80  }
0x2b: {  	[sflag:s17] =	ssyncset.done $0x0  }
0x2c: {  	[sflag:s17] =	ssyncadd.s32 $0xFFFFFF80  }
0x2d: {  	[tilespmem:s23], [sflag:$0x3] =	stream.linear.gather [hbm4b:s13+s2], $0x80, $0x38;
	[tilespmem:$0x9200] =	vst v63  }
0x2e: {  	_ =	swait.ge [sflag:s17], $0x80  }
0x2f: {  	[sflag:s17] =	ssyncset.done $0x0  }
0x30: {  	[sflag:s17] =	ssyncadd.s32 $0xFFFFFF80  }
0x31: {  	[tilespmem:s24], [sflag:$0x3] =	stream.linear.gather [hbm4b:s14+s2], $0x80, $0x38;
	[tilespmem:$0x9200] =	vst v63  }
0x32: {  	_ =	swait.ge [sflag:s17], $0x80  }
0x33: {  	[sflag:s17] =	ssyncset.done $0x0  }
0x34: {  	s0 =	simm.s32 $0x8400;
	[sflag:s17] =	ssyncadd.s32 $0xFFFFFF80  }
0x35: {  	[tilespmem:s0], [sflag:$0x2] =	stream.indirect.gather [hbm4b:s5+s19], $0x1, s2, s19, $0xb8;
	[tilespmem:$0x9200] =	vst v63  }
0x36: {  	s30 =	simm.s32 $0x8600  }
0x37: {  	[tilespmem:s30], [sflag:$0x2] =	stream.indirect.gather [hbm4b:s6+s19], $0x1, s7, s19, $0xb8;
	[tilespmem:$0x9200] =	vst v63  }
0x38: {  	_ =	swait.ge [sflag:s25], $0x80  }
0x39: {  	[sflag:s25] =	ssyncset.done $0x0  }
0x3a: {  	[sflag:s25] =	ssyncadd.s32 $0xFFFFFF80  }
0x3b: {  	_ =	swait.ge [sflag:s25], $0x80  }
0x3c: {  	[sflag:s25] =	ssyncset.done $0x0  }
0x3d: {  	s18 =	simm.s32 $0x8480;
	[sflag:s25] =	ssyncadd.s32 $0xFFFFFF80  }
0x3e: {  	[tilespmem:s18], [sflag:$0x2] =	stream.indirect.gather [hbm4b:s5+s19], $0x1, s19, s19, $0xb8;
	[tilespmem:$0x9200] =	vst v63  }
0x3f: {  	s8 =	simm.s32 $0x8680  }
0x40: {  	[tilespmem:s8], [sflag:$0x2] =	stream.indirect.gather [hbm4b:s6+s19], $0x1, s20, s19, $0xb8;
	[tilespmem:$0x9200] =	vst v63  }
0x41: {  	_ =	swait.ge [sflag:s25], $0x80  }
0x42: {  	[sflag:s25] =	ssyncset.done $0x0  }
0x43: {  	[sflag:s25] =	ssyncadd.s32 $0xFFFFFF80  }
0x44: {  	_ =	swait.ge [sflag:s25], $0x80  }
0x45: {  	[sflag:s25] =	ssyncset.done $0x0  }
0x46: {  	s9 =	simm.s32 $0x8500;
	[sflag:s25] =	ssyncadd.s32 $0xFFFFFF80  }
0x47: {  	[tilespmem:s9], [sflag:$0x2] =	stream.indirect.gather [hbm4b:s5+s19], $0x1, s21, s19, $0xb8;
	[tilespmem:$0x9200] =	vst v63  }
0x48: {  	s10 =	simm.s32 $0x8700  }
0x49: {  	[tilespmem:s10], [sflag:$0x2] =	stream.indirect.gather [hbm4b:s6+s19], $0x1, s22, s19, $0xb8;
	[tilespmem:$0x9200] =	vst v63  }
0x4a: {  	_ =	swait.ge [sflag:s25], $0x80  }
0x4b: {  	[sflag:s25] =	ssyncset.done $0x0  }
0x4c: {  	[sflag:s25] =	ssyncadd.s32 $0xFFFFFF80  }
0x4d: {  	_ =	swait.ge [sflag:s25], $0x80  }
0x4e: {  	[sflag:s25] =	ssyncset.done $0x0  }
0x4f: {  	s11 =	simm.s32 $0x8580;
	[sflag:s25] =	ssyncadd.s32 $0xFFFFFF80  }
0x50: {  	[tilespmem:s11], [sflag:$0x2] =	stream.indirect.gather [hbm4b:s5+s19], $0x1, s23, s19, $0xb8;
	[tilespmem:$0x9200] =	vst v63  }
0x51: {  	s18 =	simm.s32 $0x8780  }
0x52: {  	[tilespmem:s18], [sflag:$0x2] =	stream.indirect.gather [hbm4b:s6+s19], $0x1, s24, s19, $0xb8;
	[tilespmem:$0x9200] =	vst v63  }
0x53: {  	_ =	swait.ge [sflag:s25], $0x80  }
0x54: {  	[sflag:s25] =	ssyncset.done $0x0  }
0x55: {  	[sflag:s25] =	ssyncadd.s32 $0xFFFFFF80  }
0x56: {  	_ =	swait.ge [sflag:s25], $0x80  }
0x57: {  	[sflag:s25] =	ssyncset.done $0x0  }
0x58: {  	s7 =	simm.s32 $0x8800;
	s8 =	simm.s32 $0x0;
	[sflag:s25] =	ssyncadd.s32 $0xFFFFFF80  }
.LBB2_2:
0x59: {  	s9 =	sshll.u32 s8, $0x7  }
0x5a: {  	[tilespmem:s3], [sflag:$0x1] =	stream.indirect.gather [hbm4b:s4+s19], $0x80, s9, s19, $0xb8;
	[tilespmem:$0x9200] =	vst v63  }
0x5b: {  	s9 =	sadd.s32 $0x200, s9  }
0x5c: {  	[tilespmem:s26], [sflag:$0x1] =	stream.indirect.gather [hbm4b:s1+s19], $0x80, s9, s19, $0xb8;
	[tilespmem:$0x9200] =	vst v63  }
0x5d: {  	_ =	swait.ge [sflag:s28], $0x4000  }
0x5e: {  	[sflag:s28] =	ssyncset.done $0x0  }
0x5f: {  	[sflag:s28] =	ssyncadd.s32 $0xFFFFC000  }
0x60: {  	_ =	swait.ge [sflag:s28], $0x4000  }
0x61: {  	s10 =	simm.s32 $0x800;
	[sflag:s28] =	ssyncset.done $0x0  }
0x62: {  	s11 =	simm.s32 $0x4800;
	v1 =	vmov s0;
	v2 =	vmov s30;
	v3 =	vmov s7;
	s9 =	simm.s32 $0x0;
	[sflag:s28] =	ssyncadd.s32 $0xFFFFC000  }
.LBB2_3:
0x63: {  	v4 =	vld [tilespmem:s10+$0xFFFFFC00]  }
0x64: {  	v5 =	vld [tilespmem:s11+$0xFFFFFC00]  }
0x65: {  	v6 =	vld [tilespmem:s10+$0xFFFFFC10]  }
0x66: {  	v7 =	vld [tilespmem:s11+$0xFFFFFC10]  }
0x67: {  	v8 =	vld [tilespmem:s10+$0xFFFFFC20]  }
0x68: {  	v9 =	vld [tilespmem:s11+$0xFFFFFC20]  }
0x69: {  	v10 =	vld [tilespmem:s10+$0xFFFFFC30]  }
0x6a: {  	v11 =	vld [tilespmem:s11+$0xFFFFFC30]  }
0x6b: {  	v4 =	vmul.f32 v5, v4;
	v5 =	vmul.f32 v7, v6;
	_ =	sdelay $0x1  }
0x6c: {  	v4 =	vadd.f32 v5, v4;
	v5 =	vmul.f32 v9, v8;
	_ =	sdelay $0x1  }
0x6d: {  	v4 =	vadd.f32 v5, v4;
	v5 =	vmul.f32 v11, v10;
	_ =	sdelay $0x1  }
0x6e: {  	v4 =	vadd.f32 v5, v4;
	_ =	sdelay $0x1  }
0x6f: {  	(xrf2) =	vadd.scan.msk.f32 $0xffff, v4;
	_ =	sdelay $0x9  }
0x70: {  	v4, _, _ =	vpop (xrf2)  }
0x71: {  	[tilespmem:$0x8A00] =	vst v4  }
0x72: {  	v4 =	vld [tilespmem:s10+$0xFFFFFC80]  }
0x73: {  	v5 =	vld [tilespmem:s11+$0xFFFFFC80]  }
0x74: {  	v25 =	vld [tilespmem:s10+$0xFFFFFC90]  }
0x75: {  	v26 =	vld [tilespmem:s11+$0xFFFFFC90]  }
0x76: {  	v27 =	vld [tilespmem:s10+$0xFFFFFCA0]  }
0x77: {  	v28 =	vld [tilespmem:s11+$0xFFFFFCA0]  }
0x78: {  	v29 =	vld [tilespmem:s10+$0xFFFFFCB0]  }
0x79: {  	v30 =	vld [tilespmem:s11+$0xFFFFFCB0]  }
0x7a: {  	v4 =	vmul.f32 v5, v4;
	v5 =	vmul.f32 v26, v25;
	_ =	sdelay $0x1  }
0x7b: {  	v4 =	vadd.f32 v5, v4;
	v5 =	vmul.f32 v28, v27;
	_ =	sdelay $0x1  }
0x7c: {  	v4 =	vadd.f32 v5, v4;
	v5 =	vmul.f32 v30, v29;
	_ =	sdelay $0x1  }
0x7d: {  	v4 =	vadd.f32 v5, v4;
	_ =	sdelay $0x1  }
0x7e: {  	(xrf2) =	vadd.scan.msk.f32 $0xffff, v4;
	_ =	sdelay $0x9  }
0x7f: {  	v4, _, _ =	vpop (xrf2)  }
0x80: {  	[tilespmem:$0x8A80] =	vst v4  }
0x81: {  	v4 =	vld [tilespmem:s10+$0xFFFFFD00]  }
0x82: {  	v5 =	vld [tilespmem:s11+$0xFFFFFD00]  }
0x83: {  	v31 =	vld [tilespmem:s10+$0xFFFFFD10]  }
0x84: {  	v32 =	vld [tilespmem:s11+$0xFFFFFD10]  }
0x85: {  	v33 =	vld [tilespmem:s10+$0xFFFFFD20]  }
0x86: {  	v34 =	vld [tilespmem:s11+$0xFFFFFD20]  }
0x87: {  	v35 =	vld [tilespmem:s10+$0xFFFFFD30]  }
0x88: {  	v36 =	vld [tilespmem:s11+$0xFFFFFD30]  }
0x89: {  	v4 =	vmul.f32 v5, v4;
	v5 =	vmul.f32 v32, v31;
	_ =	sdelay $0x1  }
0x8a: {  	v4 =	vadd.f32 v5, v4;
	v5 =	vmul.f32 v34, v33;
	_ =	sdelay $0x1  }
0x8b: {  	v4 =	vadd.f32 v5, v4;
	v5 =	vmul.f32 v36, v35;
	_ =	sdelay $0x1  }
0x8c: {  	v4 =	vadd.f32 v5, v4;
	_ =	sdelay $0x1  }
0x8d: {  	(xrf2) =	vadd.scan.msk.f32 $0xffff, v4;
	_ =	sdelay $0x9  }
0x8e: {  	v4, _, _ =	vpop (xrf2)  }
0x8f: {  	[tilespmem:$0x8B00] =	vst v4  }
0x90: {  	v4 =	vld [tilespmem:s10+$0xFFFFFD80]  }
0x91: {  	v5 =	vld [tilespmem:s11+$0xFFFFFD80]  }
0x92: {  	v37 =	vld [tilespmem:s10+$0xFFFFFD90]  }
0x93: {  	v38 =	vld [tilespmem:s11+$0xFFFFFD90]  }
0x94: {  	v39 =	vld [tilespmem:s10+$0xFFFFFDA0]  }
0x95: {  	v40 =	vld [tilespmem:s11+$0xFFFFFDA0]  }
0x96: {  	v41 =	vld [tilespmem:s10+$0xFFFFFDB0]  }
0x97: {  	v42 =	vld [tilespmem:s11+$0xFFFFFDB0]  }
0x98: {  	v4 =	vmul.f32 v5, v4;
	v5 =	vmul.f32 v38, v37;
	_ =	sdelay $0x1  }
0x99: {  	v4 =	vadd.f32 v5, v4;
	v5 =	vmul.f32 v40, v39;
	_ =	sdelay $0x1  }
0x9a: {  	v4 =	vadd.f32 v5, v4;
	v5 =	vmul.f32 v42, v41;
	_ =	sdelay $0x1  }
0x9b: {  	v4 =	vadd.f32 v5, v4;
	_ =	sdelay $0x1  }
0x9c: {  	(xrf2) =	vadd.scan.msk.f32 $0xffff, v4;
	_ =	sdelay $0x9  }
0x9d: {  	v4, _, _ =	vpop (xrf2)  }
0x9e: {  	[tilespmem:$0x8B80] =	vst v4  }
0x9f: {  	v4 =	vld [tilespmem:s10+$0xFFFFFE00]  }
0xa0: {  	v5 =	vld [tilespmem:s11+$0xFFFFFE00]  }
0xa1: {  	v43 =	vld [tilespmem:s10+$0xFFFFFE10]  }
0xa2: {  	v44 =	vld [tilespmem:s11+$0xFFFFFE10]  }
0xa3: {  	v45 =	vld [tilespmem:s10+$0xFFFFFE20]  }
0xa4: {  	v46 =	vld [tilespmem:s11+$0xFFFFFE20]  }
0xa5: {  	v47 =	vld [tilespmem:s10+$0xFFFFFE30]  }
0xa6: {  	v48 =	vld [tilespmem:s11+$0xFFFFFE30]  }
0xa7: {  	v4 =	vmul.f32 v5, v4;
	v5 =	vmul.f32 v44, v43;
	_ =	sdelay $0x1  }
0xa8: {  	v4 =	vadd.f32 v5, v4;
	v5 =	vmul.f32 v46, v45;
	_ =	sdelay $0x1  }
0xa9: {  	v4 =	vadd.f32 v5, v4;
	v5 =	vmul.f32 v48, v47;
	_ =	sdelay $0x1  }
0xaa: {  	v4 =	vadd.f32 v5, v4;
	_ =	sdelay $0x1  }
0xab: {  	(xrf2) =	vadd.scan.msk.f32 $0xffff, v4;
	_ =	sdelay $0x9  }
0xac: {  	v4, _, _ =	vpop (xrf2)  }
0xad: {  	[tilespmem:$0x8C00] =	vst v4  }
0xae: {  	v4 =	vld [tilespmem:s10+$0xFFFFFE80]  }
0xaf: {  	v5 =	vld [tilespmem:s11+$0xFFFFFE80]  }
0xb0: {  	v49 =	vld [tilespmem:s10+$0xFFFFFE90]  }
0xb1: {  	v50 =	vld [tilespmem:s11+$0xFFFFFE90]  }
0xb2: {  	v51 =	vld [tilespmem:s10+$0xFFFFFEA0]  }
0xb3: {  	v52 =	vld [tilespmem:s11+$0xFFFFFEA0]  }
0xb4: {  	v53 =	vld [tilespmem:s10+$0xFFFFFEB0]  }
0xb5: {  	v54 =	vld [tilespmem:s11+$0xFFFFFEB0]  }
0xb6: {  	v4 =	vmul.f32 v5, v4;
	v5 =	vmul.f32 v50, v49;
	_ =	sdelay $0x1  }
0xb7: {  	v4 =	vadd.f32 v5, v4;
	v5 =	vmul.f32 v52, v51;
	_ =	sdelay $0x1  }
0xb8: {  	v4 =	vadd.f32 v5, v4;
	v5 =	vmul.f32 v54, v53;
	_ =	sdelay $0x1  }
0xb9: {  	v4 =	vadd.f32 v5, v4;
	_ =	sdelay $0x1  }
0xba: {  	(xrf2) =	vadd.scan.msk.f32 $0xffff, v4;
	_ =	sdelay $0x9  }
0xbb: {  	v4, _, _ =	vpop (xrf2)  }
0xbc: {  	[tilespmem:$0x8C80] =	vst v4  }
0xbd: {  	v4 =	vld [tilespmem:s10+$0xFFFFFF00]  }
0xbe: {  	v5 =	vld [tilespmem:s11+$0xFFFFFF00]  }
0xbf: {  	v55 =	vld [tilespmem:s10+$0xFFFFFF10]  }
0xc0: {  	v56 =	vld [tilespmem:s11+$0xFFFFFF10]  }
0xc1: {  	v57 =	vld [tilespmem:s10+$0xFFFFFF20]  }
0xc2: {  	v58 =	vld [tilespmem:s11+$0xFFFFFF20]  }
0xc3: {  	v59 =	vld [tilespmem:s10+$0xFFFFFF30]  }
0xc4: {  	v60 =	vld [tilespmem:s11+$0xFFFFFF30]  }
0xc5: {  	v4 =	vmul.f32 v5, v4;
	v5 =	vmul.f32 v56, v55;
	_ =	sdelay $0x1  }
0xc6: {  	v4 =	vadd.f32 v5, v4;
	v5 =	vmul.f32 v58, v57;
	_ =	sdelay $0x1  }
0xc7: {  	v4 =	vadd.f32 v5, v4;
	v5 =	vmul.f32 v60, v59;
	_ =	sdelay $0x1  }
0xc8: {  	v4 =	vadd.f32 v5, v4;
	_ =	sdelay $0x1  }
0xc9: {  	(xrf2) =	vadd.scan.msk.f32 $0xffff, v4;
	_ =	sdelay $0x9  }
0xca: {  	v4, _, _ =	vpop (xrf2)  }
0xcb: {  	[tilespmem:$0x8D00] =	vst v4  }
0xcc: {  	v4 =	vld [tilespmem:s10+$0xFFFFFF80]  }
0xcd: {  	v5 =	vld [tilespmem:s11+$0xFFFFFF80]  }
0xce: {  	v61 =	vld [tilespmem:s10+$0xFFFFFF90]  }
0xcf: {  	v62 =	vld [tilespmem:s11+$0xFFFFFF90]  }
0xd0: {  	v63 =	vld [tilespmem:s10+$0xFFFFFFA0]  }
0xd1: {  	v12 =	vld [tilespmem:s11+$0xFFFFFFA0]  }
0xd2: {  	v13 =	vld [tilespmem:s10+$0xFFFFFFB0]  }
0xd3: {  	v14 =	vld [tilespmem:s11+$0xFFFFFFB0]  }
0xd4: {  	v4 =	vmul.f32 v5, v4;
	v5 =	vmul.f32 v62, v61;
	_ =	sdelay $0x1  }
0xd5: {  	v4 =	vadd.f32 v5, v4;
	v5 =	vmul.f32 v12, v63;
	_ =	sdelay $0x1  }
0xd6: {  	v4 =	vadd.f32 v5, v4;
	v5 =	vmul.f32 v14, v13;
	_ =	sdelay $0x1  }
0xd7: {  	v4 =	vadd.f32 v5, v4;
	_ =	sdelay $0x1  }
0xd8: {  	(xrf2) =	vadd.scan.msk.f32 $0xffff, v4;
	_ =	sdelay $0x9  }
0xd9: {  	v4, _, _ =	vpop (xrf2)  }
0xda: {  	[tilespmem:$0x8D80] =	vst v4  }
0xdb: {  	v4 =	vld [tilespmem:s10+$0x0]  }
0xdc: {  	v5 =	vld [tilespmem:s11+$0x0]  }
0xdd: {  	v15 =	vld [tilespmem:s10+$0x10]  }
0xde: {  	v16 =	vld [tilespmem:s11+$0x10]  }
0xdf: {  	v17 =	vld [tilespmem:s10+$0x20]  }
0xe0: {  	v18 =	vld [tilespmem:s11+$0x20]  }
0xe1: {  	v19 =	vld [tilespmem:s10+$0x30]  }
0xe2: {  	v20 =	vld [tilespmem:s11+$0x30]  }
0xe3: {  	v4 =	vmul.f32 v5, v4;
	v5 =	vmul.f32 v16, v15;
	_ =	sdelay $0x1  }
0xe4: {  	v4 =	vadd.f32 v5, v4;
	v5 =	vmul.f32 v18, v17;
	_ =	sdelay $0x1  }
0xe5: {  	v4 =	vadd.f32 v5, v4;
	v5 =	vmul.f32 v20, v19;
	_ =	sdelay $0x1  }
0xe6: {  	v4 =	vadd.f32 v5, v4;
	_ =	sdelay $0x1  }
0xe7: {  	(xrf2) =	vadd.scan.msk.f32 $0xffff, v4;
	_ =	sdelay $0x9  }
0xe8: {  	v4, _, _ =	vpop (xrf2)  }
0xe9: {  	[tilespmem:$0x8E00] =	vst v4  }
0xea: {  	v4 =	vld [tilespmem:s10+$0x80]  }
0xeb: {  	v5 =	vld [tilespmem:s11+$0x80]  }
0xec: {  	v21 =	vld [tilespmem:s10+$0x90]  }
0xed: {  	v22 =	vld [tilespmem:s11+$0x90]  }
0xee: {  	v23 =	vld [tilespmem:s10+$0xA0]  }
0xef: {  	v24 =	vld [tilespmem:s11+$0xA0]  }
0xf0: {  	v25 =	vld [tilespmem:s10+$0xB0]  }
0xf1: {  	v26 =	vld [tilespmem:s11+$0xB0]  }
0xf2: {  	v4 =	vmul.f32 v5, v4;
	v5 =	vmul.f32 v22, v21;
	_ =	sdelay $0x1  }
0xf3: {  	v4 =	vadd.f32 v5, v4;
	v5 =	vmul.f32 v24, v23;
	_ =	sdelay $0x1  }
0xf4: {  	v4 =	vadd.f32 v5, v4;
	v5 =	vmul.f32 v26, v25;
	_ =	sdelay $0x1  }
0xf5: {  	v4 =	vadd.f32 v5, v4;
	_ =	sdelay $0x1  }
0xf6: {  	(xrf2) =	vadd.scan.msk.f32 $0xffff, v4;
	_ =	sdelay $0x9  }
0xf7: {  	v4, _, _ =	vpop (xrf2)  }
0xf8: {  	[tilespmem:$0x8E80] =	vst v4  }
0xf9: {  	v4 =	vld [tilespmem:s10+$0x100]  }
0xfa: {  	v5 =	vld [tilespmem:s11+$0x100]  }
0xfb: {  	v27 =	vld [tilespmem:s10+$0x110]  }
0xfc: {  	v28 =	vld [tilespmem:s11+$0x110]  }
0xfd: {  	v29 =	vld [tilespmem:s10+$0x120]  }
0xfe: {  	v30 =	vld [tilespmem:s11+$0x120]  }
0xff: {  	v31 =	vld [tilespmem:s10+$0x130]  }
0x100: {  	v32 =	vld [tilespmem:s11+$0x130]  }
0x101: {  	v4 =	vmul.f32 v5, v4;
	v5 =	vmul.f32 v28, v27;
	_ =	sdelay $0x1  }
0x102: {  	v4 =	vadd.f32 v5, v4;
	v5 =	vmul.f32 v30, v29;
	_ =	sdelay $0x1  }
0x103: {  	v4 =	vadd.f32 v5, v4;
	v5 =	vmul.f32 v32, v31;
	_ =	sdelay $0x1  }
0x104: {  	v4 =	vadd.f32 v5, v4;
	_ =	sdelay $0x1  }
0x105: {  	(xrf2) =	vadd.scan.msk.f32 $0xffff, v4;
	_ =	sdelay $0x9  }
0x106: {  	v4, _, _ =	vpop (xrf2)  }
0x107: {  	[tilespmem:$0x8F00] =	vst v4  }
0x108: {  	v4 =	vld [tilespmem:s10+$0x180]  }
0x109: {  	v5 =	vld [tilespmem:s11+$0x180]  }
0x10a: {  	v33 =	vld [tilespmem:s10+$0x190]  }
0x10b: {  	v34 =	vld [tilespmem:s11+$0x190]  }
0x10c: {  	v35 =	vld [tilespmem:s10+$0x1A0]  }
0x10d: {  	v36 =	vld [tilespmem:s11+$0x1A0]  }
0x10e: {  	v37 =	vld [tilespmem:s10+$0x1B0]  }
0x10f: {  	v38 =	vld [tilespmem:s11+$0x1B0]  }
0x110: {  	v4 =	vmul.f32 v5, v4;
	v5 =	vmul.f32 v34, v33;
	_ =	sdelay $0x1  }
0x111: {  	v4 =	vadd.f32 v5, v4;
	v5 =	vmul.f32 v36, v35;
	_ =	sdelay $0x1  }
0x112: {  	v4 =	vadd.f32 v5, v4;
	v5 =	vmul.f32 v38, v37;
	_ =	sdelay $0x1  }
0x113: {  	v4 =	vadd.f32 v5, v4;
	_ =	sdelay $0x1  }
0x114: {  	(xrf2) =	vadd.scan.msk.f32 $0xffff, v4;
	_ =	sdelay $0x9  }
0x115: {  	v4, _, _ =	vpop (xrf2)  }
0x116: {  	[tilespmem:$0x8F80] =	vst v4  }
0x117: {  	v4 =	vld [tilespmem:s10+$0x200]  }
0x118: {  	v5 =	vld [tilespmem:s11+$0x200]  }
0x119: {  	v39 =	vld [tilespmem:s10+$0x210]  }
0x11a: {  	v40 =	vld [tilespmem:s11+$0x210]  }
0x11b: {  	v41 =	vld [tilespmem:s10+$0x220]  }
0x11c: {  	v42 =	vld [tilespmem:s11+$0x220]  }
0x11d: {  	v43 =	vld [tilespmem:s10+$0x230]  }
0x11e: {  	v44 =	vld [tilespmem:s11+$0x230]  }
0x11f: {  	v4 =	vmul.f32 v5, v4;
	v5 =	vmul.f32 v40, v39;
	_ =	sdelay $0x1  }
0x120: {  	v4 =	vadd.f32 v5, v4;
	v5 =	vmul.f32 v42, v41;
	_ =	sdelay $0x1  }
0x121: {  	v4 =	vadd.f32 v5, v4;
	v5 =	vmul.f32 v44, v43;
	_ =	sdelay $0x1  }
0x122: {  	v4 =	vadd.f32 v5, v4;
	_ =	sdelay $0x1  }
0x123: {  	(xrf2) =	vadd.scan.msk.f32 $0xffff, v4;
	_ =	sdelay $0x9  }
0x124: {  	v4, _, _ =	vpop (xrf2)  }
0x125: {  	[tilespmem:$0x9000] =	vst v4  }
0x126: {  	v4 =	vld [tilespmem:s10+$0x280]  }
0x127: {  	v5 =	vld [tilespmem:s11+$0x280]  }
0x128: {  	v45 =	vld [tilespmem:s10+$0x290]  }
0x129: {  	v46 =	vld [tilespmem:s11+$0x290]  }
0x12a: {  	v47 =	vld [tilespmem:s10+$0x2A0]  }
0x12b: {  	v48 =	vld [tilespmem:s11+$0x2A0]  }
0x12c: {  	v49 =	vld [tilespmem:s10+$0x2B0]  }
0x12d: {  	v50 =	vld [tilespmem:s11+$0x2B0]  }
0x12e: {  	v4 =	vmul.f32 v5, v4;
	v5 =	vmul.f32 v46, v45;
	_ =	sdelay $0x1  }
0x12f: {  	v4 =	vadd.f32 v5, v4;
	v5 =	vmul.f32 v48, v47;
	_ =	sdelay $0x1  }
0x130: {  	v4 =	vadd.f32 v5, v4;
	v5 =	vmul.f32 v50, v49;
	_ =	sdelay $0x1  }
0x131: {  	v4 =	vadd.f32 v5, v4;
	_ =	sdelay $0x1  }
0x132: {  	(xrf2) =	vadd.scan.msk.f32 $0xffff, v4;
	_ =	sdelay $0x9  }
0x133: {  	v4, _, _ =	vpop (xrf2)  }
0x134: {  	[tilespmem:$0x9080] =	vst v4  }
0x135: {  	v4 =	vld [tilespmem:s10+$0x300]  }
0x136: {  	v5 =	vld [tilespmem:s11+$0x300]  }
0x137: {  	v51 =	vld [tilespmem:s10+$0x310]  }
0x138: {  	v52 =	vld [tilespmem:s11+$0x310]  }
0x139: {  	v53 =	vld [tilespmem:s10+$0x320]  }
0x13a: {  	v54 =	vld [tilespmem:s11+$0x320]  }
0x13b: {  	v55 =	vld [tilespmem:s10+$0x330]  }
0x13c: {  	v56 =	vld [tilespmem:s11+$0x330]  }
0x13d: {  	v4 =	vmul.f32 v5, v4;
	v5 =	vmul.f32 v52, v51;
	_ =	sdelay $0x1  }
0x13e: {  	v4 =	vadd.f32 v5, v4;
	v5 =	vmul.f32 v54, v53;
	_ =	sdelay $0x1  }
0x13f: {  	v4 =	vadd.f32 v5, v4;
	v5 =	vmul.f32 v56, v55;
	_ =	sdelay $0x1  }
0x140: {  	v4 =	vadd.f32 v5, v4;
	_ =	sdelay $0x1  }
0x141: {  	(xrf2) =	vadd.scan.msk.f32 $0xffff, v4;
	_ =	sdelay $0x9  }
0x142: {  	v4, _, _ =	vpop (xrf2)  }
0x143: {  	[tilespmem:$0x9100] =	vst v4  }
0x144: {  	v4 =	vld [tilespmem:s10+$0x380]  }
0x145: {  	v5 =	vld [tilespmem:s11+$0x380]  }
0x146: {  	v57 =	vld [tilespmem:s10+$0x390]  }
0x147: {  	v58 =	vld [tilespmem:s11+$0x390]  }
0x148: {  	v59 =	vld [tilespmem:s10+$0x3A0]  }
0x149: {  	v60 =	vld [tilespmem:s11+$0x3A0]  }
0x14a: {  	v61 =	vld [tilespmem:s10+$0x3B0]  }
0x14b: {  	v62 =	vld [tilespmem:s11+$0x3B0]  }
0x14c: {  	v4 =	vmul.f32 v5, v4;
	v5 =	vmul.f32 v58, v57;
	_ =	sdelay $0x1  }
0x14d: {  	v4 =	vadd.f32 v5, v4;
	v5 =	vmul.f32 v60, v59;
	_ =	sdelay $0x1  }
0x14e: {  	v4 =	vadd.f32 v5, v4;
	v5 =	vmul.f32 v62, v61;
	_ =	sdelay $0x1  }
0x14f: {  	v4 =	vadd.f32 v5, v4;
	_ =	sdelay $0x1  }
0x150: {  	(xrf2) =	vadd.scan.msk.f32 $0xffff, v4;
	_ =	sdelay $0x9  }
0x151: {  	v4, _, _ =	vpop (xrf2)  }
0x152: {  	[tilespmem:$0x9180] =	vst v4  }
0x153: {  	s18 =	sshra.s32 s9, $0x2;
	v4 =	vld.idx.msk [tilespmem:v0+s29+$0x0], $0xffff  }
0x154: {  	v5 =	vld.idx.msk [tilespmem:v1+s18+$0x0 ss:$0x1], $0xffff;
	_ =	sdelay $0x1  }
0x155: {  	v63 =	vld.idx.msk [tilespmem:v2+s18+$0x0 ss:$0x1], $0xffff;
	_ =	sdelay $0x2  }
0x156: {  	v4 =	vadd.f32 v5, v4  }
0x157: {  	p0 =	sne.s32 s9, $0x1C0  }
.Ltmp0:
0x158: {  	v4 =	vadd.f32 v63, v4;
	(pc) =	sbr.rel @p0 .LBB2_3-.Ltmp0, $3  }
0x159: {  	_ = 	snop  }
0x15a: {  	v4 =	vadd.f32 $3.500000000e+00, v4;
	_ =	sdelay $0x1  }
0x15b: {  	s9 =	sadd.s32 $0x40, s9;
	s10 =	sadd.s32 $0x800, s10;
	s11 =	sadd.s32 $0x800, s11;
	[tilespmem:v3+s18+$0x0 ss:$0x1] =	vst.idx.msk $0xffff, v4  }
0x15c: {  	s8 =	sadd.s32 $0x1, s8  }
0x15d: {  	p0 =	sne.s32 s8, $0x4  }
.Ltmp1:
0x15e: {  	_ = 	snop;
	(pc) =	sbr.rel @p0 .LBB2_2-.Ltmp1, $2  }
0x15f: {  	_ =	sdelay $0x2  }
0x160: {  	s0 =	sadd.s32 $0x80, s0;
	s30 =	sadd.s32 $0x80, s30;
	s7 =	sadd.s32 $0x80, s7  }
0x161: {  	s31 =	sadd.s32 $0x1, s31  }
0x162: {  	p0 =	sne.s32 s31, s16  }
.Ltmp2:
0x163: {  	s0 =	simm.s32 $0x8800;
	(pc) =	sbr.rel @p0 .LBB2_1-.Ltmp2, $4  }
0x164: {  	[hbm4b:s15+s2] =	stream.linear.scatter [tilespmem:s0], [sflag:$0x3], $0x200, $0x38;
	[tilespmem:$0x9200] =	vst v63  }
0x165: {  	_ =	swait.ge [sflag:s17], $0x200  }
0x166: {  	[sflag:s17] =	ssyncset.done $0x0  }
0x167: {  	[sflag:s17] =	ssyncadd.s32 $0xFFFFFE00  }
0x168: {  	_ =	sfence.sel $0x180000  }
0x169: {  	[bflag:$0x0] =	sbarrier.arrive $0xFFFF  }
0x16a: {  	_ =	strace $0x90000047  }
0x16b: {  	s0 =	stileid.u32;
	[bflag:$0x2] =	sbarrier.arrive $0xFFFF  }
0x16c: {  	p0 =	sne.s32 s0, $0x0;
	s0 =	rddreg [dreg:$0x4]  }
0x16d: {  	s0 =	sadd.s32 @!p0 $0x100000, s0  }
0x16e: {  	[sflag:s0] =	ssyncadd.tile.s32 @!p0 $0x1;
	_ =	shalt  }
.Lfunc_end2:
_tile_overlayer_lowered:
.L_overlay_start_2:
0x16f: {  	(tag) =	ssettag $0x2  }
0x170: {  	s0 =	rddreg [dreg:$0x0];
	s2 =	stileid.u32  }
0x171: {  	s1 =	rddreg [dreg:$0x1];
	p0 =	sne.s32 s2, $0x0  }
0x172: {  	s3 =	rddreg [dreg:$0x2];
	[bflag:$0x3] =	sbarrier.arrive $0xFFFF;
	s2 =	simm.s32 @!p0 $0x1C03  }
0x173: {  	[timem:s3], [sflag:s2] =	dma.local @!p0 [hbm:s0], s1  }
0x174: {  	s0 =	simm.s32 @!p0 $0x3  }
0x175: {  	_ =	swait.ge @!p0 [sflag:s0], s1  }
0x176: {  	s1 =	ssub.s32 @!p0 $0x0, s1;
	[sflag:s0] =	ssyncset.done @!p0 $0x0  }
0x177: {  	[sflag:s0] =	ssyncadd.s32 @!p0 s1  }
0x178: {  	[bflag:$0x3] =	sbarrier.arrive $0xFFFF  }
0x179: {  	_ =	shalt  }

</sc_bundles>
